<compile_context>
chip_gen: v7x
topology: tpu7x:2x2x1
jax: 0.10.2.dev20260603
libtpu: 0.0.44.dev20260713+nightly
codegen_flags: <defaults>
</compile_context>

<pallas_src>
import functools

import jax
import jax.numpy as jnp
from jax import lax
from jax.experimental import pallas as pl
from jax.experimental.pallas import tpu as pltpu
from jax.experimental.pallas import tpu_sc as plsc

NC = 2
NS = 16
L = 16
NW = NC * NS

EMB_SZ = 64
BATCH = 16384
B_PER_W = BATCH // NW
CHUNK = 128
N_CHUNKS = B_PER_W // CHUNK
N_GROUPS = B_PER_W // L


def _mf_kernel(remb_hbm, pemb_hbm, rbias_hbm, pbias_hbm, pid_hbm, rid_hbm,
               out_hbm,
               rid_v, pid_v, re_v, pe_v, rb_v, pb_v, out_v,
               sem_re, sem_pe, sem_rb, sem_pb):
    wid = lax.axis_index("s") * NC + lax.axis_index("c")
    base = wid * B_PER_W

    for j in range(N_CHUNKS):
        pltpu.sync_copy(rid_hbm.at[pl.ds(base + j * CHUNK, CHUNK)], rid_v.at[j])
        pltpu.sync_copy(pid_hbm.at[pl.ds(base + j * CHUNK, CHUNK)], pid_v.at[j])

    copies = []
    for j in range(N_CHUNKS):
        sl = pl.ds(j * CHUNK, CHUNK)
        copies.append(pltpu.async_copy(remb_hbm.at[rid_v.at[j]], re_v.at[sl], sem_re))
        copies.append(pltpu.async_copy(pemb_hbm.at[pid_v.at[j]], pe_v.at[sl], sem_pe))
        copies.append(pltpu.async_copy(rbias_hbm.at[rid_v.at[j]], rb_v.at[sl], sem_rb))
        copies.append(pltpu.async_copy(pbias_hbm.at[pid_v.at[j]], pb_v.at[sl], sem_pb))
    for c in copies:
        c.wait()

    def group_body(g, carry):
        rows = lax.iota(jnp.int32, L) + g * L
        acc = rb_v[pl.ds(g * L, L)] + pb_v[pl.ds(g * L, L)]
        for d in range(EMB_SZ):
            dv = jnp.full((L,), d, jnp.int32)
            a = plsc.load_gather(re_v, [rows, dv])
            b = plsc.load_gather(pe_v, [rows, dv])
            acc = acc + a * b
        out_v[pl.ds(g * L, L)] = acc
        return carry

    lax.fori_loop(0, N_GROUPS, group_body, 0)

    pltpu.sync_copy(out_v, out_hbm.at[pl.ds(base, B_PER_W)])


@jax.jit
def _mf(reviewer_emb, product_emb, reviewer_bias, product_bias, product_id,
        reviewer_id):
    mesh = plsc.VectorSubcoreMesh(core_axis_name="c", subcore_axis_name="s")
    return pl.kernel(
        _mf_kernel,
        out_type=jax.ShapeDtypeStruct((BATCH,), jnp.float32),
        mesh=mesh,
        compiler_params=pltpu.CompilerParams(
            needs_layout_passes=False, use_tc_tiling_on_sc=False),
        scratch_types=[
            pltpu.VMEM((N_CHUNKS, CHUNK), jnp.int32),
            pltpu.VMEM((N_CHUNKS, CHUNK), jnp.int32),
            pltpu.VMEM((B_PER_W, EMB_SZ), jnp.float32),
            pltpu.VMEM((B_PER_W, EMB_SZ), jnp.float32),
            pltpu.VMEM((B_PER_W,), jnp.float32),
            pltpu.VMEM((B_PER_W,), jnp.float32),
            pltpu.VMEM((B_PER_W,), jnp.float32),
            pltpu.SemaphoreType.DMA,
            pltpu.SemaphoreType.DMA,
            pltpu.SemaphoreType.DMA,
            pltpu.SemaphoreType.DMA,
        ],
    )(reviewer_emb, product_emb, reviewer_bias, product_bias, product_id,
      reviewer_id)


def kernel(reviewer_emb, product_emb, reviewer_bias, product_bias, product_id,
           reviewer_id):
    return _mf(reviewer_emb, product_emb,
               reviewer_bias.reshape(-1), product_bias.reshape(-1),
               product_id.astype(jnp.int32), reviewer_id.astype(jnp.int32))

# --- scband reference (transcript-rebuilt; emitter-appended) ---
"""Pipeline reference for scband-mfmodel-22110491640553 (READ-ONLY COPY).

The authoritative reference and input builder live on the scoring server;
editing this copy changes nothing except your own understanding.
"""

import jax, jax.numpy as jnp
import numpy as np

NUM_REVIEWERS = 1000000
NUM_PRODUCTS = 1000000
EMB_SZ = 64
BATCH = 16384


def setup_inputs(seed: int = 0) -> dict:
    key = jax.random.key(seed)
    k1, k2, k3, k4, k5, k6 = jax.random.split(key, 6)
    # xavier_uniform bound for embedding weights: sqrt(6 / (fan_in + fan_out))
    lim_r = float(np.sqrt(6.0 / (NUM_REVIEWERS + EMB_SZ)))
    lim_p = float(np.sqrt(6.0 / (NUM_PRODUCTS + EMB_SZ)))
    reviewer_emb = jax.random.uniform(k1, (NUM_REVIEWERS, EMB_SZ), dtype=jnp.float32, minval=-lim_r, maxval=lim_r)
    product_emb = jax.random.uniform(k2, (NUM_PRODUCTS, EMB_SZ), dtype=jnp.float32, minval=-lim_p, maxval=lim_p)
    # nn.Embedding default init is N(0, 1)
    reviewer_bias = jax.random.normal(k3, (NUM_REVIEWERS, 1), dtype=jnp.float32)
    product_bias = jax.random.normal(k4, (NUM_PRODUCTS, 1), dtype=jnp.float32)
    product_id = jax.random.randint(k5, (BATCH,), 0, NUM_PRODUCTS, dtype=jnp.int64 if jax.config.jax_enable_x64 else jnp.int32)
    reviewer_id = jax.random.randint(k6, (BATCH,), 0, NUM_REVIEWERS, dtype=jnp.int64 if jax.config.jax_enable_x64 else jnp.int32)
    return {
        "reviewer_emb": reviewer_emb,
        "product_emb": product_emb,
        "reviewer_bias": reviewer_bias,
        "product_bias": product_bias,
        "product_id": product_id,
        "reviewer_id": reviewer_id,
    }


def reference(reviewer_emb, product_emb, reviewer_bias, product_bias, product_id, reviewer_id):
    bias = jnp.take(reviewer_bias, reviewer_id, axis=0) + jnp.take(product_bias, product_id, axis=0)  # [B, 1]
    re = jnp.take(reviewer_emb, reviewer_id, axis=0)  # [B, D]
    pe = jnp.take(product_emb, product_id, axis=0)    # [B, D]
    pred = bias + jnp.sum(re * pe, axis=1, keepdims=True)  # [B, 1]
    return jnp.squeeze(pred)  # [B]

if __name__ == "__main__":
    import jax
    _d = setup_inputs()
    print(jax.jit(kernel)(*tuple(_d.values())))

</pallas_src>

<mosaic_0001>
#map = affine_map<(d0, d1) -> (0, 0)>
#map1 = affine_map<(d0, d1) -> (0)>
module attributes {stable_mosaic.version = 14 : i64} {
  func.func @_mf_kernel(%arg0: i32, %arg1: i32, %arg2: memref<1000000x64xf32, #tpu.memory_space<hbm>>, %arg3: memref<1000000x64xf32, #tpu.memory_space<hbm>>, %arg4: memref<1000000xf32, #tpu.memory_space<hbm>>, %arg5: memref<1000000xf32, #tpu.memory_space<hbm>>, %arg6: memref<16384xi32, #tpu.memory_space<hbm>>, %arg7: memref<16384xi32, #tpu.memory_space<hbm>>, %arg8: memref<16384xf32, #tpu.memory_space<hbm>>, %arg9: memref<4x128xi32, #tpu.memory_space<vmem>>, %arg10: memref<4x128xi32, #tpu.memory_space<vmem>>, %arg11: memref<512x64xf32, #tpu.memory_space<vmem>>, %arg12: memref<512x64xf32, #tpu.memory_space<vmem>>, %arg13: memref<512xf32, #tpu.memory_space<vmem>>, %arg14: memref<512xf32, #tpu.memory_space<vmem>>, %arg15: memref<512xf32, #tpu.memory_space<vmem>>, %arg16: memref<!tpu.dma_semaphore, #tpu.memory_space<semaphore_mem>>, %arg17: memref<!tpu.dma_semaphore, #tpu.memory_space<semaphore_mem>>, %arg18: memref<!tpu.dma_semaphore, #tpu.memory_space<semaphore_mem>>, %arg19: memref<!tpu.dma_semaphore, #tpu.memory_space<semaphore_mem>>) attributes {dimension_semantics = [#tpu.dimension_semantics<core_parallel>, #tpu.dimension_semantics<subcore_parallel>], iteration_bounds = array<i64: 2, 16>, scalar_prefetch = 0 : i64, scratch_operands = 11 : i64, tpu.core_type = #tpu.core_type<sc_vector_subcore>, window_params = [{transform_indices = #map}, {transform_indices = #map}, {transform_indices = #map1}, {transform_indices = #map1}, {transform_indices = #map1}, {transform_indices = #map1}, {transform_indices = #map1}]} {
    %mul3A = arith.constant 2 : i32
    %mul3A_0 = arith.muli %arg1, %mul3A : i32
    %add3A = arith.addi %mul3A_0, %arg0 : i32
    %mul3A_1 = arith.constant 512 : i32
    %mul3A_2 = arith.muli %add3A, %mul3A_1 : i32
    %add3A_3 = arith.constant 0 : i32
    %add3A_4 = arith.addi %mul3A_2, %add3A_3 : i32
    %run_scoped3A = arith.constant 0 : i32
    "tpu.region"() ({
      %run_scoped3A_317 = tpu.sem_alloc : memref<!tpu.dma_semaphore, #tpu.memory_space<semaphore_mem>>
      %dma_start3A_318 = arith.constant 0 : i32
      %dma_start3A_319 = tpu.memref_slice %arg9[%run_scoped3A, %dma_start3A_318] : memref<4x128xi32, #tpu.memory_space<vmem>> -> memref<1x128xi32, #tpu.memory_space<vmem>>
      %dma_start3A_320 = tpu.memref_squeeze %dma_start3A_319 : memref<1x128xi32, #tpu.memory_space<vmem>> -> memref<128xi32, #tpu.memory_space<vmem>>
      %dma_start3A_321 = tpu.memref_slice %arg7[%add3A_4] : memref<16384xi32, #tpu.memory_space<hbm>> -> memref<128xi32, #tpu.memory_space<hbm>>
      %dma_start3A_322 = arith.constant 0 : i32
      %dma_start3A_323 = tpu.memref_slice %arg9[%run_scoped3A, %dma_start3A_322] : memref<4x128xi32, #tpu.memory_space<vmem>> -> memref<1x128xi32, #tpu.memory_space<vmem>>
      %dma_start3A_324 = tpu.memref_squeeze %dma_start3A_323 : memref<1x128xi32, #tpu.memory_space<vmem>> -> memref<128xi32, #tpu.memory_space<vmem>>
      %dma_start3A_325 = tpu.memref_slice %arg7[%add3A_4] : memref<16384xi32, #tpu.memory_space<hbm>> -> memref<128xi32, #tpu.memory_space<hbm>>
      tpu.enqueue_dma source(%dma_start3A_325 : memref<128xi32, #tpu.memory_space<hbm>>) target(%dma_start3A_324 : memref<128xi32, #tpu.memory_space<vmem>>) target_semaphore(%run_scoped3A_317 : memref<!tpu.dma_semaphore, #tpu.memory_space<semaphore_mem>>)
      %dma_wait3A_326 = arith.constant 0 : i32
      %dma_wait3A_327 = tpu.memref_slice %arg9[%run_scoped3A, %dma_wait3A_326] : memref<4x128xi32, #tpu.memory_space<vmem>> -> memref<1x128xi32, #tpu.memory_space<vmem>>
      %dma_wait3A_328 = tpu.memref_squeeze %dma_wait3A_327 : memref<1x128xi32, #tpu.memory_space<vmem>> -> memref<128xi32, #tpu.memory_space<vmem>>
      %dma_wait3A_329 = tpu.memref_slice %arg7[%add3A_4] : memref<16384xi32, #tpu.memory_space<hbm>> -> memref<128xi32, #tpu.memory_space<hbm>>
      %dma_wait3A_330 = arith.constant 0 : i32
      %dma_wait3A_331 = tpu.memref_slice %arg9[%run_scoped3A, %dma_wait3A_330] : memref<4x128xi32, #tpu.memory_space<vmem>> -> memref<1x128xi32, #tpu.memory_space<vmem>>
      %dma_wait3A_332 = tpu.memref_squeeze %dma_wait3A_331 : memref<1x128xi32, #tpu.memory_space<vmem>> -> memref<128xi32, #tpu.memory_space<vmem>>
      %dma_wait3A_333 = tpu.memref_slice %arg7[%add3A_4] : memref<16384xi32, #tpu.memory_space<hbm>> -> memref<128xi32, #tpu.memory_space<hbm>>
      tpu.wait_dma2 semaphore(%run_scoped3A_317 : memref<!tpu.dma_semaphore, #tpu.memory_space<semaphore_mem>>) src(%dma_wait3A_333 : memref<128xi32, #tpu.memory_space<hbm>>) dst(%dma_wait3A_332 : memref<128xi32, #tpu.memory_space<vmem>>)
      tpu.yield
    }) : () -> ()
    %add3A_5 = arith.constant 0 : i32
    %add3A_6 = arith.addi %mul3A_2, %add3A_5 : i32
    %run_scoped3A_7 = arith.constant 0 : i32
    "tpu.region"() ({
      %run_scoped3A_317 = tpu.sem_alloc : memref<!tpu.dma_semaphore, #tpu.memory_space<semaphore_mem>>
      %dma_start3A_318 = arith.constant 0 : i32
      %dma_start3A_319 = tpu.memref_slice %arg10[%run_scoped3A_7, %dma_start3A_318] : memref<4x128xi32, #tpu.memory_space<vmem>> -> memref<1x128xi32, #tpu.memory_space<vmem>>
      %dma_start3A_320 = tpu.memref_squeeze %dma_start3A_319 : memref<1x128xi32, #tpu.memory_space<vmem>> -> memref<128xi32, #tpu.memory_space<vmem>>
      %dma_start3A_321 = tpu.memref_slice %arg6[%add3A_6] : memref<16384xi32, #tpu.memory_space<hbm>> -> memref<128xi32, #tpu.memory_space<hbm>>
      %dma_start3A_322 = arith.constant 0 : i32
      %dma_start3A_323 = tpu.memref_slice %arg10[%run_scoped3A_7, %dma_start3A_322] : memref<4x128xi32, #tpu.memory_space<vmem>> -> memref<1x128xi32, #tpu.memory_space<vmem>>
      %dma_start3A_324 = tpu.memref_squeeze %dma_start3A_323 : memref<1x128xi32, #tpu.memory_space<vmem>> -> memref<128xi32, #tpu.memory_space<vmem>>
      %dma_start3A_325 = tpu.memref_slice %arg6[%add3A_6] : memref<16384xi32, #tpu.memory_space<hbm>> -> memref<128xi32, #tpu.memory_space<hbm>>
      tpu.enqueue_dma source(%dma_start3A_325 : memref<128xi32, #tpu.memory_space<hbm>>) target(%dma_start3A_324 : memref<128xi32, #tpu.memory_space<vmem>>) target_semaphore(%run_scoped3A_317 : memref<!tpu.dma_semaphore, #tpu.memory_space<semaphore_mem>>)
      %dma_wait3A_326 = arith.constant 0 : i32
      %dma_wait3A_327 = tpu.memref_slice %arg10[%run_scoped3A_7, %dma_wait3A_326] : memref<4x128xi32, #tpu.memory_space<vmem>> -> memref<1x128xi32, #tpu.memory_space<vmem>>
      %dma_wait3A_328 = tpu.memref_squeeze %dma_wait3A_327 : memref<1x128xi32, #tpu.memory_space<vmem>> -> memref<128xi32, #tpu.memory_space<vmem>>
      %dma_wait3A_329 = tpu.memref_slice %arg6[%add3A_6] : memref<16384xi32, #tpu.memory_space<hbm>> -> memref<128xi32, #tpu.memory_space<hbm>>
      %dma_wait3A_330 = arith.constant 0 : i32
      %dma_wait3A_331 = tpu.memref_slice %arg10[%run_scoped3A_7, %dma_wait3A_330] : memref<4x128xi32, #tpu.memory_space<vmem>> -> memref<1x128xi32, #tpu.memory_space<vmem>>
      %dma_wait3A_332 = tpu.memref_squeeze %dma_wait3A_331 : memref<1x128xi32, #tpu.memory_space<vmem>> -> memref<128xi32, #tpu.memory_space<vmem>>
      %dma_wait3A_333 = tpu.memref_slice %arg6[%add3A_6] : memref<16384xi32, #tpu.memory_space<hbm>> -> memref<128xi32, #tpu.memory_space<hbm>>
      tpu.wait_dma2 semaphore(%run_scoped3A_317 : memref<!tpu.dma_semaphore, #tpu.memory_space<semaphore_mem>>) src(%dma_wait3A_333 : memref<128xi32, #tpu.memory_space<hbm>>) dst(%dma_wait3A_332 : memref<128xi32, #tpu.memory_space<vmem>>)
      tpu.yield
    }) : () -> ()
    %add3A_8 = arith.constant 128 : i32
    %add3A_9 = arith.addi %mul3A_2, %add3A_8 : i32
    %run_scoped3A_10 = arith.constant 1 : i32
    "tpu.region"() ({
      %run_scoped3A_317 = tpu.sem_alloc : memref<!tpu.dma_semaphore, #tpu.memory_space<semaphore_mem>>
      %dma_start3A_318 = arith.constant 0 : i32
      %dma_start3A_319 = tpu.memref_slice %arg9[%run_scoped3A_10, %dma_start3A_318] : memref<4x128xi32, #tpu.memory_space<vmem>> -> memref<1x128xi32, #tpu.memory_space<vmem>>
      %dma_start3A_320 = tpu.memref_squeeze %dma_start3A_319 : memref<1x128xi32, #tpu.memory_space<vmem>> -> memref<128xi32, #tpu.memory_space<vmem>>
      %dma_start3A_321 = tpu.memref_slice %arg7[%add3A_9] : memref<16384xi32, #tpu.memory_space<hbm>> -> memref<128xi32, #tpu.memory_space<hbm>>
      %dma_start3A_322 = arith.constant 0 : i32
      %dma_start3A_323 = tpu.memref_slice %arg9[%run_scoped3A_10, %dma_start3A_322] : memref<4x128xi32, #tpu.memory_space<vmem>> -> memref<1x128xi32, #tpu.memory_space<vmem>>
      %dma_start3A_324 = tpu.memref_squeeze %dma_start3A_323 : memref<1x128xi32, #tpu.memory_space<vmem>> -> memref<128xi32, #tpu.memory_space<vmem>>
      %dma_start3A_325 = tpu.memref_slice %arg7[%add3A_9] : memref<16384xi32, #tpu.memory_space<hbm>> -> memref<128xi32, #tpu.memory_space<hbm>>
      tpu.enqueue_dma source(%dma_start3A_325 : memref<128xi32, #tpu.memory_space<hbm>>) target(%dma_start3A_324 : memref<128xi32, #tpu.memory_space<vmem>>) target_semaphore(%run_scoped3A_317 : memref<!tpu.dma_semaphore, #tpu.memory_space<semaphore_mem>>)
      %dma_wait3A_326 = arith.constant 0 : i32
      %dma_wait3A_327 = tpu.memref_slice %arg9[%run_scoped3A_10, %dma_wait3A_326] : memref<4x128xi32, #tpu.memory_space<vmem>> -> memref<1x128xi32, #tpu.memory_space<vmem>>
      %dma_wait3A_328 = tpu.memref_squeeze %dma_wait3A_327 : memref<1x128xi32, #tpu.memory_space<vmem>> -> memref<128xi32, #tpu.memory_space<vmem>>
      %dma_wait3A_329 = tpu.memref_slice %arg7[%add3A_9] : memref<16384xi32, #tpu.memory_space<hbm>> -> memref<128xi32, #tpu.memory_space<hbm>>
      %dma_wait3A_330 = arith.constant 0 : i32
      %dma_wait3A_331 = tpu.memref_slice %arg9[%run_scoped3A_10, %dma_wait3A_330] : memref<4x128xi32, #tpu.memory_space<vmem>> -> memref<1x128xi32, #tpu.memory_space<vmem>>
      %dma_wait3A_332 = tpu.memref_squeeze %dma_wait3A_331 : memref<1x128xi32, #tpu.memory_space<vmem>> -> memref<128xi32, #tpu.memory_space<vmem>>
      %dma_wait3A_333 = tpu.memref_slice %arg7[%add3A_9] : memref<16384xi32, #tpu.memory_space<hbm>> -> memref<128xi32, #tpu.memory_space<hbm>>
      tpu.wait_dma2 semaphore(%run_scoped3A_317 : memref<!tpu.dma_semaphore, #tpu.memory_space<semaphore_mem>>) src(%dma_wait3A_333 : memref<128xi32, #tpu.memory_space<hbm>>) dst(%dma_wait3A_332 : memref<128xi32, #tpu.memory_space<vmem>>)
      tpu.yield
    }) : () -> ()
    %add3A_11 = arith.constant 128 : i32
    %add3A_12 = arith.addi %mul3A_2, %add3A_11 : i32
    %run_scoped3A_13 = arith.constant 1 : i32
    "tpu.region"() ({
      %run_scoped3A_317 = tpu.sem_alloc : memref<!tpu.dma_semaphore, #tpu.memory_space<semaphore_mem>>
      %dma_start3A_318 = arith.constant 0 : i32
      %dma_start3A_319 = tpu.memref_slice %arg10[%run_scoped3A_13, %dma_start3A_318] : memref<4x128xi32, #tpu.memory_space<vmem>> -> memref<1x128xi32, #tpu.memory_space<vmem>>
      %dma_start3A_320 = tpu.memref_squeeze %dma_start3A_319 : memref<1x128xi32, #tpu.memory_space<vmem>> -> memref<128xi32, #tpu.memory_space<vmem>>
      %dma_start3A_321 = tpu.memref_slice %arg6[%add3A_12] : memref<16384xi32, #tpu.memory_space<hbm>> -> memref<128xi32, #tpu.memory_space<hbm>>
      %dma_start3A_322 = arith.constant 0 : i32
      %dma_start3A_323 = tpu.memref_slice %arg10[%run_scoped3A_13, %dma_start3A_322] : memref<4x128xi32, #tpu.memory_space<vmem>> -> memref<1x128xi32, #tpu.memory_space<vmem>>
      %dma_start3A_324 = tpu.memref_squeeze %dma_start3A_323 : memref<1x128xi32, #tpu.memory_space<vmem>> -> memref<128xi32, #tpu.memory_space<vmem>>
      %dma_start3A_325 = tpu.memref_slice %arg6[%add3A_12] : memref<16384xi32, #tpu.memory_space<hbm>> -> memref<128xi32, #tpu.memory_space<hbm>>
      tpu.enqueue_dma source(%dma_start3A_325 : memref<128xi32, #tpu.memory_space<hbm>>) target(%dma_start3A_324 : memref<128xi32, #tpu.memory_space<vmem>>) target_semaphore(%run_scoped3A_317 : memref<!tpu.dma_semaphore, #tpu.memory_space<semaphore_mem>>)
      %dma_wait3A_326 = arith.constant 0 : i32
      %dma_wait3A_327 = tpu.memref_slice %arg10[%run_scoped3A_13, %dma_wait3A_326] : memref<4x128xi32, #tpu.memory_space<vmem>> -> memref<1x128xi32, #tpu.memory_space<vmem>>
      %dma_wait3A_328 = tpu.memref_squeeze %dma_wait3A_327 : memref<1x128xi32, #tpu.memory_space<vmem>> -> memref<128xi32, #tpu.memory_space<vmem>>
      %dma_wait3A_329 = tpu.memref_slice %arg6[%add3A_12] : memref<16384xi32, #tpu.memory_space<hbm>> -> memref<128xi32, #tpu.memory_space<hbm>>
      %dma_wait3A_330 = arith.constant 0 : i32
      %dma_wait3A_331 = tpu.memref_slice %arg10[%run_scoped3A_13, %dma_wait3A_330] : memref<4x128xi32, #tpu.memory_space<vmem>> -> memref<1x128xi32, #tpu.memory_space<vmem>>
      %dma_wait3A_332 = tpu.memref_squeeze %dma_wait3A_331 : memref<1x128xi32, #tpu.memory_space<vmem>> -> memref<128xi32, #tpu.memory_space<vmem>>
      %dma_wait3A_333 = tpu.memref_slice %arg6[%add3A_12] : memref<16384xi32, #tpu.memory_space<hbm>> -> memref<128xi32, #tpu.memory_space<hbm>>
      tpu.wait_dma2 semaphore(%run_scoped3A_317 : memref<!tpu.dma_semaphore, #tpu.memory_space<semaphore_mem>>) src(%dma_wait3A_333 : memref<128xi32, #tpu.memory_space<hbm>>) dst(%dma_wait3A_332 : memref<128xi32, #tpu.memory_space<vmem>>)
      tpu.yield
    }) : () -> ()
    %add3A_14 = arith.constant 256 : i32
    %add3A_15 = arith.addi %mul3A_2, %add3A_14 : i32
    %run_scoped3A_16 = arith.constant 2 : i32
    "tpu.region"() ({
      %run_scoped3A_317 = tpu.sem_alloc : memref<!tpu.dma_semaphore, #tpu.memory_space<semaphore_mem>>
      %dma_start3A_318 = arith.constant 0 : i32
      %dma_start3A_319 = tpu.memref_slice %arg9[%run_scoped3A_16, %dma_start3A_318] : memref<4x128xi32, #tpu.memory_space<vmem>> -> memref<1x128xi32, #tpu.memory_space<vmem>>
      %dma_start3A_320 = tpu.memref_squeeze %dma_start3A_319 : memref<1x128xi32, #tpu.memory_space<vmem>> -> memref<128xi32, #tpu.memory_space<vmem>>
      %dma_start3A_321 = tpu.memref_slice %arg7[%add3A_15] : memref<16384xi32, #tpu.memory_space<hbm>> -> memref<128xi32, #tpu.memory_space<hbm>>
      %dma_start3A_322 = arith.constant 0 : i32
      %dma_start3A_323 = tpu.memref_slice %arg9[%run_scoped3A_16, %dma_start3A_322] : memref<4x128xi32, #tpu.memory_space<vmem>> -> memref<1x128xi32, #tpu.memory_space<vmem>>
      %dma_start3A_324 = tpu.memref_squeeze %dma_start3A_323 : memref<1x128xi32, #tpu.memory_space<vmem>> -> memref<128xi32, #tpu.memory_space<vmem>>
      %dma_start3A_325 = tpu.memref_slice %arg7[%add3A_15] : memref<16384xi32, #tpu.memory_space<hbm>> -> memref<128xi32, #tpu.memory_space<hbm>>
      tpu.enqueue_dma source(%dma_start3A_325 : memref<128xi32, #tpu.memory_space<hbm>>) target(%dma_start3A_324 : memref<128xi32, #tpu.memory_space<vmem>>) target_semaphore(%run_scoped3A_317 : memref<!tpu.dma_semaphore, #tpu.memory_space<semaphore_mem>>)
      %dma_wait3A_326 = arith.constant 0 : i32
      %dma_wait3A_327 = tpu.memref_slice %arg9[%run_scoped3A_16, %dma_wait3A_326] : memref<4x128xi32, #tpu.memory_space<vmem>> -> memref<1x128xi32, #tpu.memory_space<vmem>>
      %dma_wait3A_328 = tpu.memref_squeeze %dma_wait3A_327 : memref<1x128xi32, #tpu.memory_space<vmem>> -> memref<128xi32, #tpu.memory_space<vmem>>
      %dma_wait3A_329 = tpu.memref_slice %arg7[%add3A_15] : memref<16384xi32, #tpu.memory_space<hbm>> -> memref<128xi32, #tpu.memory_space<hbm>>
      %dma_wait3A_330 = arith.constant 0 : i32
      %dma_wait3A_331 = tpu.memref_slice %arg9[%run_scoped3A_16, %dma_wait3A_330] : memref<4x128xi32, #tpu.memory_space<vmem>> -> memref<1x128xi32, #tpu.memory_space<vmem>>
      %dma_wait3A_332 = tpu.memref_squeeze %dma_wait3A_331 : memref<1x128xi32, #tpu.memory_space<vmem>> -> memref<128xi32, #tpu.memory_space<vmem>>
      %dma_wait3A_333 = tpu.memref_slice %arg7[%add3A_15] : memref<16384xi32, #tpu.memory_space<hbm>> -> memref<128xi32, #tpu.memory_space<hbm>>
      tpu.wait_dma2 semaphore(%run_scoped3A_317 : memref<!tpu.dma_semaphore, #tpu.memory_space<semaphore_mem>>) src(%dma_wait3A_333 : memref<128xi32, #tpu.memory_space<hbm>>) dst(%dma_wait3A_332 : memref<128xi32, #tpu.memory_space<vmem>>)
      tpu.yield
    }) : () -> ()
    %add3A_17 = arith.constant 256 : i32
    %add3A_18 = arith.addi %mul3A_2, %add3A_17 : i32
    %run_scoped3A_19 = arith.constant 2 : i32
    "tpu.region"() ({
      %run_scoped3A_317 = tpu.sem_alloc : memref<!tpu.dma_semaphore, #tpu.memory_space<semaphore_mem>>
      %dma_start3A_318 = arith.constant 0 : i32
      %dma_start3A_319 = tpu.memref_slice %arg10[%run_scoped3A_19, %dma_start3A_318] : memref<4x128xi32, #tpu.memory_space<vmem>> -> memref<1x128xi32, #tpu.memory_space<vmem>>
      %dma_start3A_320 = tpu.memref_squeeze %dma_start3A_319 : memref<1x128xi32, #tpu.memory_space<vmem>> -> memref<128xi32, #tpu.memory_space<vmem>>
      %dma_start3A_321 = tpu.memref_slice %arg6[%add3A_18] : memref<16384xi32, #tpu.memory_space<hbm>> -> memref<128xi32, #tpu.memory_space<hbm>>
      %dma_start3A_322 = arith.constant 0 : i32
      %dma_start3A_323 = tpu.memref_slice %arg10[%run_scoped3A_19, %dma_start3A_322] : memref<4x128xi32, #tpu.memory_space<vmem>> -> memref<1x128xi32, #tpu.memory_space<vmem>>
      %dma_start3A_324 = tpu.memref_squeeze %dma_start3A_323 : memref<1x128xi32, #tpu.memory_space<vmem>> -> memref<128xi32, #tpu.memory_space<vmem>>
      %dma_start3A_325 = tpu.memref_slice %arg6[%add3A_18] : memref<16384xi32, #tpu.memory_space<hbm>> -> memref<128xi32, #tpu.memory_space<hbm>>
      tpu.enqueue_dma source(%dma_start3A_325 : memref<128xi32, #tpu.memory_space<hbm>>) target(%dma_start3A_324 : memref<128xi32, #tpu.memory_space<vmem>>) target_semaphore(%run_scoped3A_317 : memref<!tpu.dma_semaphore, #tpu.memory_space<semaphore_mem>>)
      %dma_wait3A_326 = arith.constant 0 : i32
      %dma_wait3A_327 = tpu.memref_slice %arg10[%run_scoped3A_19, %dma_wait3A_326] : memref<4x128xi32, #tpu.memory_space<vmem>> -> memref<1x128xi32, #tpu.memory_space<vmem>>
      %dma_wait3A_328 = tpu.memref_squeeze %dma_wait3A_327 : memref<1x128xi32, #tpu.memory_space<vmem>> -> memref<128xi32, #tpu.memory_space<vmem>>
      %dma_wait3A_329 = tpu.memref_slice %arg6[%add3A_18] : memref<16384xi32, #tpu.memory_space<hbm>> -> memref<128xi32, #tpu.memory_space<hbm>>
      %dma_wait3A_330 = arith.constant 0 : i32
      %dma_wait3A_331 = tpu.memref_slice %arg10[%run_scoped3A_19, %dma_wait3A_330] : memref<4x128xi32, #tpu.memory_space<vmem>> -> memref<1x128xi32, #tpu.memory_space<vmem>>
      %dma_wait3A_332 = tpu.memref_squeeze %dma_wait3A_331 : memref<1x128xi32, #tpu.memory_space<vmem>> -> memref<128xi32, #tpu.memory_space<vmem>>
      %dma_wait3A_333 = tpu.memref_slice %arg6[%add3A_18] : memref<16384xi32, #tpu.memory_space<hbm>> -> memref<128xi32, #tpu.memory_space<hbm>>
      tpu.wait_dma2 semaphore(%run_scoped3A_317 : memref<!tpu.dma_semaphore, #tpu.memory_space<semaphore_mem>>) src(%dma_wait3A_333 : memref<128xi32, #tpu.memory_space<hbm>>) dst(%dma_wait3A_332 : memref<128xi32, #tpu.memory_space<vmem>>)
      tpu.yield
    }) : () -> ()
    %add3A_20 = arith.constant 384 : i32
    %add3A_21 = arith.addi %mul3A_2, %add3A_20 : i32
    %run_scoped3A_22 = arith.constant 3 : i32
    "tpu.region"() ({
      %run_scoped3A_317 = tpu.sem_alloc : memref<!tpu.dma_semaphore, #tpu.memory_space<semaphore_mem>>
      %dma_start3A_318 = arith.constant 0 : i32
      %dma_start3A_319 = tpu.memref_slice %arg9[%run_scoped3A_22, %dma_start3A_318] : memref<4x128xi32, #tpu.memory_space<vmem>> -> memref<1x128xi32, #tpu.memory_space<vmem>>
      %dma_start3A_320 = tpu.memref_squeeze %dma_start3A_319 : memref<1x128xi32, #tpu.memory_space<vmem>> -> memref<128xi32, #tpu.memory_space<vmem>>
      %dma_start3A_321 = tpu.memref_slice %arg7[%add3A_21] : memref<16384xi32, #tpu.memory_space<hbm>> -> memref<128xi32, #tpu.memory_space<hbm>>
      %dma_start3A_322 = arith.constant 0 : i32
      %dma_start3A_323 = tpu.memref_slice %arg9[%run_scoped3A_22, %dma_start3A_322] : memref<4x128xi32, #tpu.memory_space<vmem>> -> memref<1x128xi32, #tpu.memory_space<vmem>>
      %dma_start3A_324 = tpu.memref_squeeze %dma_start3A_323 : memref<1x128xi32, #tpu.memory_space<vmem>> -> memref<128xi32, #tpu.memory_space<vmem>>
      %dma_start3A_325 = tpu.memref_slice %arg7[%add3A_21] : memref<16384xi32, #tpu.memory_space<hbm>> -> memref<128xi32, #tpu.memory_space<hbm>>
      tpu.enqueue_dma source(%dma_start3A_325 : memref<128xi32, #tpu.memory_space<hbm>>) target(%dma_start3A_324 : memref<128xi32, #tpu.memory_space<vmem>>) target_semaphore(%run_scoped3A_317 : memref<!tpu.dma_semaphore, #tpu.memory_space<semaphore_mem>>)
      %dma_wait3A_326 = arith.constant 0 : i32
      %dma_wait3A_327 = tpu.memref_slice %arg9[%run_scoped3A_22, %dma_wait3A_326] : memref<4x128xi32, #tpu.memory_space<vmem>> -> memref<1x128xi32, #tpu.memory_space<vmem>>
      %dma_wait3A_328 = tpu.memref_squeeze %dma_wait3A_327 : memref<1x128xi32, #tpu.memory_space<vmem>> -> memref<128xi32, #tpu.memory_space<vmem>>
      %dma_wait3A_329 = tpu.memref_slice %arg7[%add3A_21] : memref<16384xi32, #tpu.memory_space<hbm>> -> memref<128xi32, #tpu.memory_space<hbm>>
      %dma_wait3A_330 = arith.constant 0 : i32
      %dma_wait3A_331 = tpu.memref_slice %arg9[%run_scoped3A_22, %dma_wait3A_330] : memref<4x128xi32, #tpu.memory_space<vmem>> -> memref<1x128xi32, #tpu.memory_space<vmem>>
      %dma_wait3A_332 = tpu.memref_squeeze %dma_wait3A_331 : memref<1x128xi32, #tpu.memory_space<vmem>> -> memref<128xi32, #tpu.memory_space<vmem>>
      %dma_wait3A_333 = tpu.memref_slice %arg7[%add3A_21] : memref<16384xi32, #tpu.memory_space<hbm>> -> memref<128xi32, #tpu.memory_space<hbm>>
      tpu.wait_dma2 semaphore(%run_scoped3A_317 : memref<!tpu.dma_semaphore, #tpu.memory_space<semaphore_mem>>) src(%dma_wait3A_333 : memref<128xi32, #tpu.memory_space<hbm>>) dst(%dma_wait3A_332 : memref<128xi32, #tpu.memory_space<vmem>>)
      tpu.yield
    }) : () -> ()
    %add3A_23 = arith.constant 384 : i32
    %add3A_24 = arith.addi %mul3A_2, %add3A_23 : i32
    %run_scoped3A_25 = arith.constant 3 : i32
    "tpu.region"() ({
      %run_scoped3A_317 = tpu.sem_alloc : memref<!tpu.dma_semaphore, #tpu.memory_space<semaphore_mem>>
      %dma_start3A_318 = arith.constant 0 : i32
      %dma_start3A_319 = tpu.memref_slice %arg10[%run_scoped3A_25, %dma_start3A_318] : memref<4x128xi32, #tpu.memory_space<vmem>> -> memref<1x128xi32, #tpu.memory_space<vmem>>
      %dma_start3A_320 = tpu.memref_squeeze %dma_start3A_319 : memref<1x128xi32, #tpu.memory_space<vmem>> -> memref<128xi32, #tpu.memory_space<vmem>>
      %dma_start3A_321 = tpu.memref_slice %arg6[%add3A_24] : memref<16384xi32, #tpu.memory_space<hbm>> -> memref<128xi32, #tpu.memory_space<hbm>>
      %dma_start3A_322 = arith.constant 0 : i32
      %dma_start3A_323 = tpu.memref_slice %arg10[%run_scoped3A_25, %dma_start3A_322] : memref<4x128xi32, #tpu.memory_space<vmem>> -> memref<1x128xi32, #tpu.memory_space<vmem>>
      %dma_start3A_324 = tpu.memref_squeeze %dma_start3A_323 : memref<1x128xi32, #tpu.memory_space<vmem>> -> memref<128xi32, #tpu.memory_space<vmem>>
      %dma_start3A_325 = tpu.memref_slice %arg6[%add3A_24] : memref<16384xi32, #tpu.memory_space<hbm>> -> memref<128xi32, #tpu.memory_space<hbm>>
      tpu.enqueue_dma source(%dma_start3A_325 : memref<128xi32, #tpu.memory_space<hbm>>) target(%dma_start3A_324 : memref<128xi32, #tpu.memory_space<vmem>>) target_semaphore(%run_scoped3A_317 : memref<!tpu.dma_semaphore, #tpu.memory_space<semaphore_mem>>)
      %dma_wait3A_326 = arith.constant 0 : i32
      %dma_wait3A_327 = tpu.memref_slice %arg10[%run_scoped3A_25, %dma_wait3A_326] : memref<4x128xi32, #tpu.memory_space<vmem>> -> memref<1x128xi32, #tpu.memory_space<vmem>>
      %dma_wait3A_328 = tpu.memref_squeeze %dma_wait3A_327 : memref<1x128xi32, #tpu.memory_space<vmem>> -> memref<128xi32, #tpu.memory_space<vmem>>
      %dma_wait3A_329 = tpu.memref_slice %arg6[%add3A_24] : memref<16384xi32, #tpu.memory_space<hbm>> -> memref<128xi32, #tpu.memory_space<hbm>>
      %dma_wait3A_330 = arith.constant 0 : i32
      %dma_wait3A_331 = tpu.memref_slice %arg10[%run_scoped3A_25, %dma_wait3A_330] : memref<4x128xi32, #tpu.memory_space<vmem>> -> memref<1x128xi32, #tpu.memory_space<vmem>>
      %dma_wait3A_332 = tpu.memref_squeeze %dma_wait3A_331 : memref<1x128xi32, #tpu.memory_space<vmem>> -> memref<128xi32, #tpu.memory_space<vmem>>
      %dma_wait3A_333 = tpu.memref_slice %arg6[%add3A_24] : memref<16384xi32, #tpu.memory_space<hbm>> -> memref<128xi32, #tpu.memory_space<hbm>>
      tpu.wait_dma2 semaphore(%run_scoped3A_317 : memref<!tpu.dma_semaphore, #tpu.memory_space<semaphore_mem>>) src(%dma_wait3A_333 : memref<128xi32, #tpu.memory_space<hbm>>) dst(%dma_wait3A_332 : memref<128xi32, #tpu.memory_space<vmem>>)
      tpu.yield
    }) : () -> ()
    %dma_start3A = arith.constant 0 : i32
    %dma_start3A_26 = arith.constant 0 : i32
    %dma_start3A_27 = arith.constant 0 : i32
    %dma_start3A_28 = tpu.memref_slice %arg11[%dma_start3A_26, %dma_start3A_27] : memref<512x64xf32, #tpu.memory_space<vmem>> -> memref<128x64xf32, #tpu.memory_space<vmem>>
    %dma_start3A_29 = arith.constant 0 : i32
    %dma_start3A_30 = tpu.memref_slice %arg9[%dma_start3A, %dma_start3A_29] : memref<4x128xi32, #tpu.memory_space<vmem>> -> memref<1x128xi32, #tpu.memory_space<vmem>>
    %dma_start3A_31 = tpu.memref_squeeze %dma_start3A_30 : memref<1x128xi32, #tpu.memory_space<vmem>> -> memref<128xi32, #tpu.memory_space<vmem>>
    %dma_start3A_32 = arith.constant 0 : i32
    %dma_start3A_33 = arith.constant 0 : i32
    %dma_start3A_34 = tpu.memref_slice %arg2[%dma_start3A_32, %dma_start3A_33] : memref<1000000x64xf32, #tpu.memory_space<hbm>> -> memref<1000000x64xf32, #tpu.memory_space<hbm>>
    tpu.enqueue_indirect_dma source(%dma_start3A_34 : memref<1000000x64xf32, #tpu.memory_space<hbm>>) target(%dma_start3A_28 : memref<128x64xf32, #tpu.memory_space<vmem>>) offsets(%dma_start3A_31 : memref<128xi32, #tpu.memory_space<vmem>>) semaphore(%arg16 : memref<!tpu.dma_semaphore, #tpu.memory_space<semaphore_mem>>)
    %dma_start3A_35 = arith.constant 0 : i32
    %dma_start3A_36 = arith.constant 0 : i32
    %dma_start3A_37 = arith.constant 0 : i32
    %dma_start3A_38 = tpu.memref_slice %arg12[%dma_start3A_36, %dma_start3A_37] : memref<512x64xf32, #tpu.memory_space<vmem>> -> memref<128x64xf32, #tpu.memory_space<vmem>>
    %dma_start3A_39 = arith.constant 0 : i32
    %dma_start3A_40 = tpu.memref_slice %arg10[%dma_start3A_35, %dma_start3A_39] : memref<4x128xi32, #tpu.memory_space<vmem>> -> memref<1x128xi32, #tpu.memory_space<vmem>>
    %dma_start3A_41 = tpu.memref_squeeze %dma_start3A_40 : memref<1x128xi32, #tpu.memory_space<vmem>> -> memref<128xi32, #tpu.memory_space<vmem>>
    %dma_start3A_42 = arith.constant 0 : i32
    %dma_start3A_43 = arith.constant 0 : i32
    %dma_start3A_44 = tpu.memref_slice %arg3[%dma_start3A_42, %dma_start3A_43] : memref<1000000x64xf32, #tpu.memory_space<hbm>> -> memref<1000000x64xf32, #tpu.memory_space<hbm>>
    tpu.enqueue_indirect_dma source(%dma_start3A_44 : memref<1000000x64xf32, #tpu.memory_space<hbm>>) target(%dma_start3A_38 : memref<128x64xf32, #tpu.memory_space<vmem>>) offsets(%dma_start3A_41 : memref<128xi32, #tpu.memory_space<vmem>>) semaphore(%arg17 : memref<!tpu.dma_semaphore, #tpu.memory_space<semaphore_mem>>)
    %dma_start3A_45 = arith.constant 0 : i32
    %dma_start3A_46 = arith.constant 0 : i32
    %dma_start3A_47 = tpu.memref_slice %arg13[%dma_start3A_46] : memref<512xf32, #tpu.memory_space<vmem>> -> memref<128xf32, #tpu.memory_space<vmem>>
    %dma_start3A_48 = arith.constant 0 : i32
    %dma_start3A_49 = tpu.memref_slice %arg9[%dma_start3A_45, %dma_start3A_48] : memref<4x128xi32, #tpu.memory_space<vmem>> -> memref<1x128xi32, #tpu.memory_space<vmem>>
    %dma_start3A_50 = tpu.memref_squeeze %dma_start3A_49 : memref<1x128xi32, #tpu.memory_space<vmem>> -> memref<128xi32, #tpu.memory_space<vmem>>
    %dma_start3A_51 = arith.constant 0 : i32
    %dma_start3A_52 = tpu.memref_slice %arg4[%dma_start3A_51] : memref<1000000xf32, #tpu.memory_space<hbm>> -> memref<1000000xf32, #tpu.memory_space<hbm>>
    tpu.enqueue_indirect_dma source(%dma_start3A_52 : memref<1000000xf32, #tpu.memory_space<hbm>>) target(%dma_start3A_47 : memref<128xf32, #tpu.memory_space<vmem>>) offsets(%dma_start3A_50 : memref<128xi32, #tpu.memory_space<vmem>>) semaphore(%arg18 : memref<!tpu.dma_semaphore, #tpu.memory_space<semaphore_mem>>)
    %dma_start3A_53 = arith.constant 0 : i32
    %dma_start3A_54 = arith.constant 0 : i32
    %dma_start3A_55 = tpu.memref_slice %arg14[%dma_start3A_54] : memref<512xf32, #tpu.memory_space<vmem>> -> memref<128xf32, #tpu.memory_space<vmem>>
    %dma_start3A_56 = arith.constant 0 : i32
    %dma_start3A_57 = tpu.memref_slice %arg10[%dma_start3A_53, %dma_start3A_56] : memref<4x128xi32, #tpu.memory_space<vmem>> -> memref<1x128xi32, #tpu.memory_space<vmem>>
    %dma_start3A_58 = tpu.memref_squeeze %dma_start3A_57 : memref<1x128xi32, #tpu.memory_space<vmem>> -> memref<128xi32, #tpu.memory_space<vmem>>
    %dma_start3A_59 = arith.constant 0 : i32
    %dma_start3A_60 = tpu.memref_slice %arg5[%dma_start3A_59] : memref<1000000xf32, #tpu.memory_space<hbm>> -> memref<1000000xf32, #tpu.memory_space<hbm>>
    tpu.enqueue_indirect_dma source(%dma_start3A_60 : memref<1000000xf32, #tpu.memory_space<hbm>>) target(%dma_start3A_55 : memref<128xf32, #tpu.memory_space<vmem>>) offsets(%dma_start3A_58 : memref<128xi32, #tpu.memory_space<vmem>>) semaphore(%arg19 : memref<!tpu.dma_semaphore, #tpu.memory_space<semaphore_mem>>)
    %dma_start3A_61 = arith.constant 1 : i32
    %dma_start3A_62 = arith.constant 128 : i32
    %dma_start3A_63 = arith.constant 0 : i32
    %dma_start3A_64 = tpu.memref_slice %arg11[%dma_start3A_62, %dma_start3A_63] : memref<512x64xf32, #tpu.memory_space<vmem>> -> memref<128x64xf32, #tpu.memory_space<vmem>>
    %dma_start3A_65 = arith.constant 0 : i32
    %dma_start3A_66 = tpu.memref_slice %arg9[%dma_start3A_61, %dma_start3A_65] : memref<4x128xi32, #tpu.memory_space<vmem>> -> memref<1x128xi32, #tpu.memory_space<vmem>>
    %dma_start3A_67 = tpu.memref_squeeze %dma_start3A_66 : memref<1x128xi32, #tpu.memory_space<vmem>> -> memref<128xi32, #tpu.memory_space<vmem>>
    %dma_start3A_68 = arith.constant 0 : i32
    %dma_start3A_69 = arith.constant 0 : i32
    %dma_start3A_70 = tpu.memref_slice %arg2[%dma_start3A_68, %dma_start3A_69] : memref<1000000x64xf32, #tpu.memory_space<hbm>> -> memref<1000000x64xf32, #tpu.memory_space<hbm>>
    tpu.enqueue_indirect_dma source(%dma_start3A_70 : memref<1000000x64xf32, #tpu.memory_space<hbm>>) target(%dma_start3A_64 : memref<128x64xf32, #tpu.memory_space<vmem>>) offsets(%dma_start3A_67 : memref<128xi32, #tpu.memory_space<vmem>>) semaphore(%arg16 : memref<!tpu.dma_semaphore, #tpu.memory_space<semaphore_mem>>)
    %dma_start3A_71 = arith.constant 1 : i32
    %dma_start3A_72 = arith.constant 128 : i32
    %dma_start3A_73 = arith.constant 0 : i32
    %dma_start3A_74 = tpu.memref_slice %arg12[%dma_start3A_72, %dma_start3A_73] : memref<512x64xf32, #tpu.memory_space<vmem>> -> memref<128x64xf32, #tpu.memory_space<vmem>>
    %dma_start3A_75 = arith.constant 0 : i32
    %dma_start3A_76 = tpu.memref_slice %arg10[%dma_start3A_71, %dma_start3A_75] : memref<4x128xi32, #tpu.memory_space<vmem>> -> memref<1x128xi32, #tpu.memory_space<vmem>>
    %dma_start3A_77 = tpu.memref_squeeze %dma_start3A_76 : memref<1x128xi32, #tpu.memory_space<vmem>> -> memref<128xi32, #tpu.memory_space<vmem>>
    %dma_start3A_78 = arith.constant 0 : i32
    %dma_start3A_79 = arith.constant 0 : i32
    %dma_start3A_80 = tpu.memref_slice %arg3[%dma_start3A_78, %dma_start3A_79] : memref<1000000x64xf32, #tpu.memory_space<hbm>> -> memref<1000000x64xf32, #tpu.memory_space<hbm>>
    tpu.enqueue_indirect_dma source(%dma_start3A_80 : memref<1000000x64xf32, #tpu.memory_space<hbm>>) target(%dma_start3A_74 : memref<128x64xf32, #tpu.memory_space<vmem>>) offsets(%dma_start3A_77 : memref<128xi32, #tpu.memory_space<vmem>>) semaphore(%arg17 : memref<!tpu.dma_semaphore, #tpu.memory_space<semaphore_mem>>)
    %dma_start3A_81 = arith.constant 1 : i32
    %dma_start3A_82 = arith.constant 128 : i32
    %dma_start3A_83 = tpu.memref_slice %arg13[%dma_start3A_82] : memref<512xf32, #tpu.memory_space<vmem>> -> memref<128xf32, #tpu.memory_space<vmem>>
    %dma_start3A_84 = arith.constant 0 : i32
    %dma_start3A_85 = tpu.memref_slice %arg9[%dma_start3A_81, %dma_start3A_84] : memref<4x128xi32, #tpu.memory_space<vmem>> -> memref<1x128xi32, #tpu.memory_space<vmem>>
    %dma_start3A_86 = tpu.memref_squeeze %dma_start3A_85 : memref<1x128xi32, #tpu.memory_space<vmem>> -> memref<128xi32, #tpu.memory_space<vmem>>
    %dma_start3A_87 = arith.constant 0 : i32
    %dma_start3A_88 = tpu.memref_slice %arg4[%dma_start3A_87] : memref<1000000xf32, #tpu.memory_space<hbm>> -> memref<1000000xf32, #tpu.memory_space<hbm>>
    tpu.enqueue_indirect_dma source(%dma_start3A_88 : memref<1000000xf32, #tpu.memory_space<hbm>>) target(%dma_start3A_83 : memref<128xf32, #tpu.memory_space<vmem>>) offsets(%dma_start3A_86 : memref<128xi32, #tpu.memory_space<vmem>>) semaphore(%arg18 : memref<!tpu.dma_semaphore, #tpu.memory_space<semaphore_mem>>)
    %dma_start3A_89 = arith.constant 1 : i32
    %dma_start3A_90 = arith.constant 128 : i32
    %dma_start3A_91 = tpu.memref_slice %arg14[%dma_start3A_90] : memref<512xf32, #tpu.memory_space<vmem>> -> memref<128xf32, #tpu.memory_space<vmem>>
    %dma_start3A_92 = arith.constant 0 : i32
    %dma_start3A_93 = tpu.memref_slice %arg10[%dma_start3A_89, %dma_start3A_92] : memref<4x128xi32, #tpu.memory_space<vmem>> -> memref<1x128xi32, #tpu.memory_space<vmem>>
    %dma_start3A_94 = tpu.memref_squeeze %dma_start3A_93 : memref<1x128xi32, #tpu.memory_space<vmem>> -> memref<128xi32, #tpu.memory_space<vmem>>
    %dma_start3A_95 = arith.constant 0 : i32
    %dma_start3A_96 = tpu.memref_slice %arg5[%dma_start3A_95] : memref<1000000xf32, #tpu.memory_space<hbm>> -> memref<1000000xf32, #tpu.memory_space<hbm>>
    tpu.enqueue_indirect_dma source(%dma_start3A_96 : memref<1000000xf32, #tpu.memory_space<hbm>>) target(%dma_start3A_91 : memref<128xf32, #tpu.memory_space<vmem>>) offsets(%dma_start3A_94 : memref<128xi32, #tpu.memory_space<vmem>>) semaphore(%arg19 : memref<!tpu.dma_semaphore, #tpu.memory_space<semaphore_mem>>)
    %dma_start3A_97 = arith.constant 2 : i32
    %dma_start3A_98 = arith.constant 256 : i32
    %dma_start3A_99 = arith.constant 0 : i32
    %dma_start3A_100 = tpu.memref_slice %arg11[%dma_start3A_98, %dma_start3A_99] : memref<512x64xf32, #tpu.memory_space<vmem>> -> memref<128x64xf32, #tpu.memory_space<vmem>>
    %dma_start3A_101 = arith.constant 0 : i32
    %dma_start3A_102 = tpu.memref_slice %arg9[%dma_start3A_97, %dma_start3A_101] : memref<4x128xi32, #tpu.memory_space<vmem>> -> memref<1x128xi32, #tpu.memory_space<vmem>>
    %dma_start3A_103 = tpu.memref_squeeze %dma_start3A_102 : memref<1x128xi32, #tpu.memory_space<vmem>> -> memref<128xi32, #tpu.memory_space<vmem>>
    %dma_start3A_104 = arith.constant 0 : i32
    %dma_start3A_105 = arith.constant 0 : i32
    %dma_start3A_106 = tpu.memref_slice %arg2[%dma_start3A_104, %dma_start3A_105] : memref<1000000x64xf32, #tpu.memory_space<hbm>> -> memref<1000000x64xf32, #tpu.memory_space<hbm>>
    tpu.enqueue_indirect_dma source(%dma_start3A_106 : memref<1000000x64xf32, #tpu.memory_space<hbm>>) target(%dma_start3A_100 : memref<128x64xf32, #tpu.memory_space<vmem>>) offsets(%dma_start3A_103 : memref<128xi32, #tpu.memory_space<vmem>>) semaphore(%arg16 : memref<!tpu.dma_semaphore, #tpu.memory_space<semaphore_mem>>)
    %dma_start3A_107 = arith.constant 2 : i32
    %dma_start3A_108 = arith.constant 256 : i32
    %dma_start3A_109 = arith.constant 0 : i32
    %dma_start3A_110 = tpu.memref_slice %arg12[%dma_start3A_108, %dma_start3A_109] : memref<512x64xf32, #tpu.memory_space<vmem>> -> memref<128x64xf32, #tpu.memory_space<vmem>>
    %dma_start3A_111 = arith.constant 0 : i32
    %dma_start3A_112 = tpu.memref_slice %arg10[%dma_start3A_107, %dma_start3A_111] : memref<4x128xi32, #tpu.memory_space<vmem>> -> memref<1x128xi32, #tpu.memory_space<vmem>>
    %dma_start3A_113 = tpu.memref_squeeze %dma_start3A_112 : memref<1x128xi32, #tpu.memory_space<vmem>> -> memref<128xi32, #tpu.memory_space<vmem>>
    %dma_start3A_114 = arith.constant 0 : i32
    %dma_start3A_115 = arith.constant 0 : i32
    %dma_start3A_116 = tpu.memref_slice %arg3[%dma_start3A_114, %dma_start3A_115] : memref<1000000x64xf32, #tpu.memory_space<hbm>> -> memref<1000000x64xf32, #tpu.memory_space<hbm>>
    tpu.enqueue_indirect_dma source(%dma_start3A_116 : memref<1000000x64xf32, #tpu.memory_space<hbm>>) target(%dma_start3A_110 : memref<128x64xf32, #tpu.memory_space<vmem>>) offsets(%dma_start3A_113 : memref<128xi32, #tpu.memory_space<vmem>>) semaphore(%arg17 : memref<!tpu.dma_semaphore, #tpu.memory_space<semaphore_mem>>)
    %dma_start3A_117 = arith.constant 2 : i32
    %dma_start3A_118 = arith.constant 256 : i32
    %dma_start3A_119 = tpu.memref_slice %arg13[%dma_start3A_118] : memref<512xf32, #tpu.memory_space<vmem>> -> memref<128xf32, #tpu.memory_space<vmem>>
    %dma_start3A_120 = arith.constant 0 : i32
    %dma_start3A_121 = tpu.memref_slice %arg9[%dma_start3A_117, %dma_start3A_120] : memref<4x128xi32, #tpu.memory_space<vmem>> -> memref<1x128xi32, #tpu.memory_space<vmem>>
    %dma_start3A_122 = tpu.memref_squeeze %dma_start3A_121 : memref<1x128xi32, #tpu.memory_space<vmem>> -> memref<128xi32, #tpu.memory_space<vmem>>
    %dma_start3A_123 = arith.constant 0 : i32
    %dma_start3A_124 = tpu.memref_slice %arg4[%dma_start3A_123] : memref<1000000xf32, #tpu.memory_space<hbm>> -> memref<1000000xf32, #tpu.memory_space<hbm>>
    tpu.enqueue_indirect_dma source(%dma_start3A_124 : memref<1000000xf32, #tpu.memory_space<hbm>>) target(%dma_start3A_119 : memref<128xf32, #tpu.memory_space<vmem>>) offsets(%dma_start3A_122 : memref<128xi32, #tpu.memory_space<vmem>>) semaphore(%arg18 : memref<!tpu.dma_semaphore, #tpu.memory_space<semaphore_mem>>)
    %dma_start3A_125 = arith.constant 2 : i32
    %dma_start3A_126 = arith.constant 256 : i32
    %dma_start3A_127 = tpu.memref_slice %arg14[%dma_start3A_126] : memref<512xf32, #tpu.memory_space<vmem>> -> memref<128xf32, #tpu.memory_space<vmem>>
    %dma_start3A_128 = arith.constant 0 : i32
    %dma_start3A_129 = tpu.memref_slice %arg10[%dma_start3A_125, %dma_start3A_128] : memref<4x128xi32, #tpu.memory_space<vmem>> -> memref<1x128xi32, #tpu.memory_space<vmem>>
    %dma_start3A_130 = tpu.memref_squeeze %dma_start3A_129 : memref<1x128xi32, #tpu.memory_space<vmem>> -> memref<128xi32, #tpu.memory_space<vmem>>
    %dma_start3A_131 = arith.constant 0 : i32
    %dma_start3A_132 = tpu.memref_slice %arg5[%dma_start3A_131] : memref<1000000xf32, #tpu.memory_space<hbm>> -> memref<1000000xf32, #tpu.memory_space<hbm>>
    tpu.enqueue_indirect_dma source(%dma_start3A_132 : memref<1000000xf32, #tpu.memory_space<hbm>>) target(%dma_start3A_127 : memref<128xf32, #tpu.memory_space<vmem>>) offsets(%dma_start3A_130 : memref<128xi32, #tpu.memory_space<vmem>>) semaphore(%arg19 : memref<!tpu.dma_semaphore, #tpu.memory_space<semaphore_mem>>)
    %dma_start3A_133 = arith.constant 3 : i32
    %dma_start3A_134 = arith.constant 384 : i32
    %dma_start3A_135 = arith.constant 0 : i32
    %dma_start3A_136 = tpu.memref_slice %arg11[%dma_start3A_134, %dma_start3A_135] : memref<512x64xf32, #tpu.memory_space<vmem>> -> memref<128x64xf32, #tpu.memory_space<vmem>>
    %dma_start3A_137 = arith.constant 0 : i32
    %dma_start3A_138 = tpu.memref_slice %arg9[%dma_start3A_133, %dma_start3A_137] : memref<4x128xi32, #tpu.memory_space<vmem>> -> memref<1x128xi32, #tpu.memory_space<vmem>>
    %dma_start3A_139 = tpu.memref_squeeze %dma_start3A_138 : memref<1x128xi32, #tpu.memory_space<vmem>> -> memref<128xi32, #tpu.memory_space<vmem>>
    %dma_start3A_140 = arith.constant 0 : i32
    %dma_start3A_141 = arith.constant 0 : i32
    %dma_start3A_142 = tpu.memref_slice %arg2[%dma_start3A_140, %dma_start3A_141] : memref<1000000x64xf32, #tpu.memory_space<hbm>> -> memref<1000000x64xf32, #tpu.memory_space<hbm>>
    tpu.enqueue_indirect_dma source(%dma_start3A_142 : memref<1000000x64xf32, #tpu.memory_space<hbm>>) target(%dma_start3A_136 : memref<128x64xf32, #tpu.memory_space<vmem>>) offsets(%dma_start3A_139 : memref<128xi32, #tpu.memory_space<vmem>>) semaphore(%arg16 : memref<!tpu.dma_semaphore, #tpu.memory_space<semaphore_mem>>)
    %dma_start3A_143 = arith.constant 3 : i32
    %dma_start3A_144 = arith.constant 384 : i32
    %dma_start3A_145 = arith.constant 0 : i32
    %dma_start3A_146 = tpu.memref_slice %arg12[%dma_start3A_144, %dma_start3A_145] : memref<512x64xf32, #tpu.memory_space<vmem>> -> memref<128x64xf32, #tpu.memory_space<vmem>>
    %dma_start3A_147 = arith.constant 0 : i32
    %dma_start3A_148 = tpu.memref_slice %arg10[%dma_start3A_143, %dma_start3A_147] : memref<4x128xi32, #tpu.memory_space<vmem>> -> memref<1x128xi32, #tpu.memory_space<vmem>>
    %dma_start3A_149 = tpu.memref_squeeze %dma_start3A_148 : memref<1x128xi32, #tpu.memory_space<vmem>> -> memref<128xi32, #tpu.memory_space<vmem>>
    %dma_start3A_150 = arith.constant 0 : i32
    %dma_start3A_151 = arith.constant 0 : i32
    %dma_start3A_152 = tpu.memref_slice %arg3[%dma_start3A_150, %dma_start3A_151] : memref<1000000x64xf32, #tpu.memory_space<hbm>> -> memref<1000000x64xf32, #tpu.memory_space<hbm>>
    tpu.enqueue_indirect_dma source(%dma_start3A_152 : memref<1000000x64xf32, #tpu.memory_space<hbm>>) target(%dma_start3A_146 : memref<128x64xf32, #tpu.memory_space<vmem>>) offsets(%dma_start3A_149 : memref<128xi32, #tpu.memory_space<vmem>>) semaphore(%arg17 : memref<!tpu.dma_semaphore, #tpu.memory_space<semaphore_mem>>)
    %dma_start3A_153 = arith.constant 3 : i32
    %dma_start3A_154 = arith.constant 384 : i32
    %dma_start3A_155 = tpu.memref_slice %arg13[%dma_start3A_154] : memref<512xf32, #tpu.memory_space<vmem>> -> memref<128xf32, #tpu.memory_space<vmem>>
    %dma_start3A_156 = arith.constant 0 : i32
    %dma_start3A_157 = tpu.memref_slice %arg9[%dma_start3A_153, %dma_start3A_156] : memref<4x128xi32, #tpu.memory_space<vmem>> -> memref<1x128xi32, #tpu.memory_space<vmem>>
    %dma_start3A_158 = tpu.memref_squeeze %dma_start3A_157 : memref<1x128xi32, #tpu.memory_space<vmem>> -> memref<128xi32, #tpu.memory_space<vmem>>
    %dma_start3A_159 = arith.constant 0 : i32
    %dma_start3A_160 = tpu.memref_slice %arg4[%dma_start3A_159] : memref<1000000xf32, #tpu.memory_space<hbm>> -> memref<1000000xf32, #tpu.memory_space<hbm>>
    tpu.enqueue_indirect_dma source(%dma_start3A_160 : memref<1000000xf32, #tpu.memory_space<hbm>>) target(%dma_start3A_155 : memref<128xf32, #tpu.memory_space<vmem>>) offsets(%dma_start3A_158 : memref<128xi32, #tpu.memory_space<vmem>>) semaphore(%arg18 : memref<!tpu.dma_semaphore, #tpu.memory_space<semaphore_mem>>)
    %dma_start3A_161 = arith.constant 3 : i32
    %dma_start3A_162 = arith.constant 384 : i32
    %dma_start3A_163 = tpu.memref_slice %arg14[%dma_start3A_162] : memref<512xf32, #tpu.memory_space<vmem>> -> memref<128xf32, #tpu.memory_space<vmem>>
    %dma_start3A_164 = arith.constant 0 : i32
    %dma_start3A_165 = tpu.memref_slice %arg10[%dma_start3A_161, %dma_start3A_164] : memref<4x128xi32, #tpu.memory_space<vmem>> -> memref<1x128xi32, #tpu.memory_space<vmem>>
    %dma_start3A_166 = tpu.memref_squeeze %dma_start3A_165 : memref<1x128xi32, #tpu.memory_space<vmem>> -> memref<128xi32, #tpu.memory_space<vmem>>
    %dma_start3A_167 = arith.constant 0 : i32
    %dma_start3A_168 = tpu.memref_slice %arg5[%dma_start3A_167] : memref<1000000xf32, #tpu.memory_space<hbm>> -> memref<1000000xf32, #tpu.memory_space<hbm>>
    tpu.enqueue_indirect_dma source(%dma_start3A_168 : memref<1000000xf32, #tpu.memory_space<hbm>>) target(%dma_start3A_163 : memref<128xf32, #tpu.memory_space<vmem>>) offsets(%dma_start3A_166 : memref<128xi32, #tpu.memory_space<vmem>>) semaphore(%arg19 : memref<!tpu.dma_semaphore, #tpu.memory_space<semaphore_mem>>)
    %dma_wait3A = arith.constant 0 : i32
    %dma_wait3A_169 = arith.constant 0 : i32
    %dma_wait3A_170 = arith.constant 0 : i32
    %dma_wait3A_171 = tpu.memref_slice %arg11[%dma_wait3A_169, %dma_wait3A_170] : memref<512x64xf32, #tpu.memory_space<vmem>> -> memref<128x64xf32, #tpu.memory_space<vmem>>
    %dma_wait3A_172 = arith.constant 0 : i32
    %dma_wait3A_173 = tpu.memref_slice %arg9[%dma_wait3A, %dma_wait3A_172] : memref<4x128xi32, #tpu.memory_space<vmem>> -> memref<1x128xi32, #tpu.memory_space<vmem>>
    %dma_wait3A_174 = tpu.memref_squeeze %dma_wait3A_173 : memref<1x128xi32, #tpu.memory_space<vmem>> -> memref<128xi32, #tpu.memory_space<vmem>>
    %dma_wait3A_175 = arith.constant 0 : i32
    %dma_wait3A_176 = arith.constant 0 : i32
    %dma_wait3A_177 = tpu.memref_slice %arg2[%dma_wait3A_175, %dma_wait3A_176] : memref<1000000x64xf32, #tpu.memory_space<hbm>> -> memref<1000000x64xf32, #tpu.memory_space<hbm>>
    tpu.wait_indirect_dma semaphore(%arg16 : memref<!tpu.dma_semaphore, #tpu.memory_space<semaphore_mem>>) src(%dma_wait3A_177 : memref<1000000x64xf32, #tpu.memory_space<hbm>>) dst(%dma_wait3A_171 : memref<128x64xf32, #tpu.memory_space<vmem>>)
    %dma_wait3A_178 = arith.constant 0 : i32
    %dma_wait3A_179 = arith.constant 0 : i32
    %dma_wait3A_180 = arith.constant 0 : i32
    %dma_wait3A_181 = tpu.memref_slice %arg12[%dma_wait3A_179, %dma_wait3A_180] : memref<512x64xf32, #tpu.memory_space<vmem>> -> memref<128x64xf32, #tpu.memory_space<vmem>>
    %dma_wait3A_182 = arith.constant 0 : i32
    %dma_wait3A_183 = tpu.memref_slice %arg10[%dma_wait3A_178, %dma_wait3A_182] : memref<4x128xi32, #tpu.memory_space<vmem>> -> memref<1x128xi32, #tpu.memory_space<vmem>>
    %dma_wait3A_184 = tpu.memref_squeeze %dma_wait3A_183 : memref<1x128xi32, #tpu.memory_space<vmem>> -> memref<128xi32, #tpu.memory_space<vmem>>
    %dma_wait3A_185 = arith.constant 0 : i32
    %dma_wait3A_186 = arith.constant 0 : i32
    %dma_wait3A_187 = tpu.memref_slice %arg3[%dma_wait3A_185, %dma_wait3A_186] : memref<1000000x64xf32, #tpu.memory_space<hbm>> -> memref<1000000x64xf32, #tpu.memory_space<hbm>>
    tpu.wait_indirect_dma semaphore(%arg17 : memref<!tpu.dma_semaphore, #tpu.memory_space<semaphore_mem>>) src(%dma_wait3A_187 : memref<1000000x64xf32, #tpu.memory_space<hbm>>) dst(%dma_wait3A_181 : memref<128x64xf32, #tpu.memory_space<vmem>>)
    %dma_wait3A_188 = arith.constant 0 : i32
    %dma_wait3A_189 = arith.constant 0 : i32
    %dma_wait3A_190 = tpu.memref_slice %arg13[%dma_wait3A_189] : memref<512xf32, #tpu.memory_space<vmem>> -> memref<128xf32, #tpu.memory_space<vmem>>
    %dma_wait3A_191 = arith.constant 0 : i32
    %dma_wait3A_192 = tpu.memref_slice %arg9[%dma_wait3A_188, %dma_wait3A_191] : memref<4x128xi32, #tpu.memory_space<vmem>> -> memref<1x128xi32, #tpu.memory_space<vmem>>
    %dma_wait3A_193 = tpu.memref_squeeze %dma_wait3A_192 : memref<1x128xi32, #tpu.memory_space<vmem>> -> memref<128xi32, #tpu.memory_space<vmem>>
    %dma_wait3A_194 = arith.constant 0 : i32
    %dma_wait3A_195 = tpu.memref_slice %arg4[%dma_wait3A_194] : memref<1000000xf32, #tpu.memory_space<hbm>> -> memref<1000000xf32, #tpu.memory_space<hbm>>
    tpu.wait_indirect_dma semaphore(%arg18 : memref<!tpu.dma_semaphore, #tpu.memory_space<semaphore_mem>>) src(%dma_wait3A_195 : memref<1000000xf32, #tpu.memory_space<hbm>>) dst(%dma_wait3A_190 : memref<128xf32, #tpu.memory_space<vmem>>)
    %dma_wait3A_196 = arith.constant 0 : i32
    %dma_wait3A_197 = arith.constant 0 : i32
    %dma_wait3A_198 = tpu.memref_slice %arg14[%dma_wait3A_197] : memref<512xf32, #tpu.memory_space<vmem>> -> memref<128xf32, #tpu.memory_space<vmem>>
    %dma_wait3A_199 = arith.constant 0 : i32
    %dma_wait3A_200 = tpu.memref_slice %arg10[%dma_wait3A_196, %dma_wait3A_199] : memref<4x128xi32, #tpu.memory_space<vmem>> -> memref<1x128xi32, #tpu.memory_space<vmem>>
    %dma_wait3A_201 = tpu.memref_squeeze %dma_wait3A_200 : memref<1x128xi32, #tpu.memory_space<vmem>> -> memref<128xi32, #tpu.memory_space<vmem>>
    %dma_wait3A_202 = arith.constant 0 : i32
    %dma_wait3A_203 = tpu.memref_slice %arg5[%dma_wait3A_202] : memref<1000000xf32, #tpu.memory_space<hbm>> -> memref<1000000xf32, #tpu.memory_space<hbm>>
    tpu.wait_indirect_dma semaphore(%arg19 : memref<!tpu.dma_semaphore, #tpu.memory_space<semaphore_mem>>) src(%dma_wait3A_203 : memref<1000000xf32, #tpu.memory_space<hbm>>) dst(%dma_wait3A_198 : memref<128xf32, #tpu.memory_space<vmem>>)
    %dma_wait3A_204 = arith.constant 1 : i32
    %dma_wait3A_205 = arith.constant 128 : i32
    %dma_wait3A_206 = arith.constant 0 : i32
    %dma_wait3A_207 = tpu.memref_slice %arg11[%dma_wait3A_205, %dma_wait3A_206] : memref<512x64xf32, #tpu.memory_space<vmem>> -> memref<128x64xf32, #tpu.memory_space<vmem>>
    %dma_wait3A_208 = arith.constant 0 : i32
    %dma_wait3A_209 = tpu.memref_slice %arg9[%dma_wait3A_204, %dma_wait3A_208] : memref<4x128xi32, #tpu.memory_space<vmem>> -> memref<1x128xi32, #tpu.memory_space<vmem>>
    %dma_wait3A_210 = tpu.memref_squeeze %dma_wait3A_209 : memref<1x128xi32, #tpu.memory_space<vmem>> -> memref<128xi32, #tpu.memory_space<vmem>>
    %dma_wait3A_211 = arith.constant 0 : i32
    %dma_wait3A_212 = arith.constant 0 : i32
    %dma_wait3A_213 = tpu.memref_slice %arg2[%dma_wait3A_211, %dma_wait3A_212] : memref<1000000x64xf32, #tpu.memory_space<hbm>> -> memref<1000000x64xf32, #tpu.memory_space<hbm>>
    tpu.wait_indirect_dma semaphore(%arg16 : memref<!tpu.dma_semaphore, #tpu.memory_space<semaphore_mem>>) src(%dma_wait3A_213 : memref<1000000x64xf32, #tpu.memory_space<hbm>>) dst(%dma_wait3A_207 : memref<128x64xf32, #tpu.memory_space<vmem>>)
    %dma_wait3A_214 = arith.constant 1 : i32
    %dma_wait3A_215 = arith.constant 128 : i32
    %dma_wait3A_216 = arith.constant 0 : i32
    %dma_wait3A_217 = tpu.memref_slice %arg12[%dma_wait3A_215, %dma_wait3A_216] : memref<512x64xf32, #tpu.memory_space<vmem>> -> memref<128x64xf32, #tpu.memory_space<vmem>>
    %dma_wait3A_218 = arith.constant 0 : i32
    %dma_wait3A_219 = tpu.memref_slice %arg10[%dma_wait3A_214, %dma_wait3A_218] : memref<4x128xi32, #tpu.memory_space<vmem>> -> memref<1x128xi32, #tpu.memory_space<vmem>>
    %dma_wait3A_220 = tpu.memref_squeeze %dma_wait3A_219 : memref<1x128xi32, #tpu.memory_space<vmem>> -> memref<128xi32, #tpu.memory_space<vmem>>
    %dma_wait3A_221 = arith.constant 0 : i32
    %dma_wait3A_222 = arith.constant 0 : i32
    %dma_wait3A_223 = tpu.memref_slice %arg3[%dma_wait3A_221, %dma_wait3A_222] : memref<1000000x64xf32, #tpu.memory_space<hbm>> -> memref<1000000x64xf32, #tpu.memory_space<hbm>>
    tpu.wait_indirect_dma semaphore(%arg17 : memref<!tpu.dma_semaphore, #tpu.memory_space<semaphore_mem>>) src(%dma_wait3A_223 : memref<1000000x64xf32, #tpu.memory_space<hbm>>) dst(%dma_wait3A_217 : memref<128x64xf32, #tpu.memory_space<vmem>>)
    %dma_wait3A_224 = arith.constant 1 : i32
    %dma_wait3A_225 = arith.constant 128 : i32
    %dma_wait3A_226 = tpu.memref_slice %arg13[%dma_wait3A_225] : memref<512xf32, #tpu.memory_space<vmem>> -> memref<128xf32, #tpu.memory_space<vmem>>
    %dma_wait3A_227 = arith.constant 0 : i32
    %dma_wait3A_228 = tpu.memref_slice %arg9[%dma_wait3A_224, %dma_wait3A_227] : memref<4x128xi32, #tpu.memory_space<vmem>> -> memref<1x128xi32, #tpu.memory_space<vmem>>
    %dma_wait3A_229 = tpu.memref_squeeze %dma_wait3A_228 : memref<1x128xi32, #tpu.memory_space<vmem>> -> memref<128xi32, #tpu.memory_space<vmem>>
    %dma_wait3A_230 = arith.constant 0 : i32
    %dma_wait3A_231 = tpu.memref_slice %arg4[%dma_wait3A_230] : memref<1000000xf32, #tpu.memory_space<hbm>> -> memref<1000000xf32, #tpu.memory_space<hbm>>
    tpu.wait_indirect_dma semaphore(%arg18 : memref<!tpu.dma_semaphore, #tpu.memory_space<semaphore_mem>>) src(%dma_wait3A_231 : memref<1000000xf32, #tpu.memory_space<hbm>>) dst(%dma_wait3A_226 : memref<128xf32, #tpu.memory_space<vmem>>)
    %dma_wait3A_232 = arith.constant 1 : i32
    %dma_wait3A_233 = arith.constant 128 : i32
    %dma_wait3A_234 = tpu.memref_slice %arg14[%dma_wait3A_233] : memref<512xf32, #tpu.memory_space<vmem>> -> memref<128xf32, #tpu.memory_space<vmem>>
    %dma_wait3A_235 = arith.constant 0 : i32
    %dma_wait3A_236 = tpu.memref_slice %arg10[%dma_wait3A_232, %dma_wait3A_235] : memref<4x128xi32, #tpu.memory_space<vmem>> -> memref<1x128xi32, #tpu.memory_space<vmem>>
    %dma_wait3A_237 = tpu.memref_squeeze %dma_wait3A_236 : memref<1x128xi32, #tpu.memory_space<vmem>> -> memref<128xi32, #tpu.memory_space<vmem>>
    %dma_wait3A_238 = arith.constant 0 : i32
    %dma_wait3A_239 = tpu.memref_slice %arg5[%dma_wait3A_238] : memref<1000000xf32, #tpu.memory_space<hbm>> -> memref<1000000xf32, #tpu.memory_space<hbm>>
    tpu.wait_indirect_dma semaphore(%arg19 : memref<!tpu.dma_semaphore, #tpu.memory_space<semaphore_mem>>) src(%dma_wait3A_239 : memref<1000000xf32, #tpu.memory_space<hbm>>) dst(%dma_wait3A_234 : memref<128xf32, #tpu.memory_space<vmem>>)
    %dma_wait3A_240 = arith.constant 2 : i32
    %dma_wait3A_241 = arith.constant 256 : i32
    %dma_wait3A_242 = arith.constant 0 : i32
    %dma_wait3A_243 = tpu.memref_slice %arg11[%dma_wait3A_241, %dma_wait3A_242] : memref<512x64xf32, #tpu.memory_space<vmem>> -> memref<128x64xf32, #tpu.memory_space<vmem>>
    %dma_wait3A_244 = arith.constant 0 : i32
    %dma_wait3A_245 = tpu.memref_slice %arg9[%dma_wait3A_240, %dma_wait3A_244] : memref<4x128xi32, #tpu.memory_space<vmem>> -> memref<1x128xi32, #tpu.memory_space<vmem>>
    %dma_wait3A_246 = tpu.memref_squeeze %dma_wait3A_245 : memref<1x128xi32, #tpu.memory_space<vmem>> -> memref<128xi32, #tpu.memory_space<vmem>>
    %dma_wait3A_247 = arith.constant 0 : i32
    %dma_wait3A_248 = arith.constant 0 : i32
    %dma_wait3A_249 = tpu.memref_slice %arg2[%dma_wait3A_247, %dma_wait3A_248] : memref<1000000x64xf32, #tpu.memory_space<hbm>> -> memref<1000000x64xf32, #tpu.memory_space<hbm>>
    tpu.wait_indirect_dma semaphore(%arg16 : memref<!tpu.dma_semaphore, #tpu.memory_space<semaphore_mem>>) src(%dma_wait3A_249 : memref<1000000x64xf32, #tpu.memory_space<hbm>>) dst(%dma_wait3A_243 : memref<128x64xf32, #tpu.memory_space<vmem>>)
    %dma_wait3A_250 = arith.constant 2 : i32
    %dma_wait3A_251 = arith.constant 256 : i32
    %dma_wait3A_252 = arith.constant 0 : i32
    %dma_wait3A_253 = tpu.memref_slice %arg12[%dma_wait3A_251, %dma_wait3A_252] : memref<512x64xf32, #tpu.memory_space<vmem>> -> memref<128x64xf32, #tpu.memory_space<vmem>>
    %dma_wait3A_254 = arith.constant 0 : i32
    %dma_wait3A_255 = tpu.memref_slice %arg10[%dma_wait3A_250, %dma_wait3A_254] : memref<4x128xi32, #tpu.memory_space<vmem>> -> memref<1x128xi32, #tpu.memory_space<vmem>>
    %dma_wait3A_256 = tpu.memref_squeeze %dma_wait3A_255 : memref<1x128xi32, #tpu.memory_space<vmem>> -> memref<128xi32, #tpu.memory_space<vmem>>
    %dma_wait3A_257 = arith.constant 0 : i32
    %dma_wait3A_258 = arith.constant 0 : i32
    %dma_wait3A_259 = tpu.memref_slice %arg3[%dma_wait3A_257, %dma_wait3A_258] : memref<1000000x64xf32, #tpu.memory_space<hbm>> -> memref<1000000x64xf32, #tpu.memory_space<hbm>>
    tpu.wait_indirect_dma semaphore(%arg17 : memref<!tpu.dma_semaphore, #tpu.memory_space<semaphore_mem>>) src(%dma_wait3A_259 : memref<1000000x64xf32, #tpu.memory_space<hbm>>) dst(%dma_wait3A_253 : memref<128x64xf32, #tpu.memory_space<vmem>>)
    %dma_wait3A_260 = arith.constant 2 : i32
    %dma_wait3A_261 = arith.constant 256 : i32
    %dma_wait3A_262 = tpu.memref_slice %arg13[%dma_wait3A_261] : memref<512xf32, #tpu.memory_space<vmem>> -> memref<128xf32, #tpu.memory_space<vmem>>
    %dma_wait3A_263 = arith.constant 0 : i32
    %dma_wait3A_264 = tpu.memref_slice %arg9[%dma_wait3A_260, %dma_wait3A_263] : memref<4x128xi32, #tpu.memory_space<vmem>> -> memref<1x128xi32, #tpu.memory_space<vmem>>
    %dma_wait3A_265 = tpu.memref_squeeze %dma_wait3A_264 : memref<1x128xi32, #tpu.memory_space<vmem>> -> memref<128xi32, #tpu.memory_space<vmem>>
    %dma_wait3A_266 = arith.constant 0 : i32
    %dma_wait3A_267 = tpu.memref_slice %arg4[%dma_wait3A_266] : memref<1000000xf32, #tpu.memory_space<hbm>> -> memref<1000000xf32, #tpu.memory_space<hbm>>
    tpu.wait_indirect_dma semaphore(%arg18 : memref<!tpu.dma_semaphore, #tpu.memory_space<semaphore_mem>>) src(%dma_wait3A_267 : memref<1000000xf32, #tpu.memory_space<hbm>>) dst(%dma_wait3A_262 : memref<128xf32, #tpu.memory_space<vmem>>)
    %dma_wait3A_268 = arith.constant 2 : i32
    %dma_wait3A_269 = arith.constant 256 : i32
    %dma_wait3A_270 = tpu.memref_slice %arg14[%dma_wait3A_269] : memref<512xf32, #tpu.memory_space<vmem>> -> memref<128xf32, #tpu.memory_space<vmem>>
    %dma_wait3A_271 = arith.constant 0 : i32
    %dma_wait3A_272 = tpu.memref_slice %arg10[%dma_wait3A_268, %dma_wait3A_271] : memref<4x128xi32, #tpu.memory_space<vmem>> -> memref<1x128xi32, #tpu.memory_space<vmem>>
    %dma_wait3A_273 = tpu.memref_squeeze %dma_wait3A_272 : memref<1x128xi32, #tpu.memory_space<vmem>> -> memref<128xi32, #tpu.memory_space<vmem>>
    %dma_wait3A_274 = arith.constant 0 : i32
    %dma_wait3A_275 = tpu.memref_slice %arg5[%dma_wait3A_274] : memref<1000000xf32, #tpu.memory_space<hbm>> -> memref<1000000xf32, #tpu.memory_space<hbm>>
    tpu.wait_indirect_dma semaphore(%arg19 : memref<!tpu.dma_semaphore, #tpu.memory_space<semaphore_mem>>) src(%dma_wait3A_275 : memref<1000000xf32, #tpu.memory_space<hbm>>) dst(%dma_wait3A_270 : memref<128xf32, #tpu.memory_space<vmem>>)
    %dma_wait3A_276 = arith.constant 3 : i32
    %dma_wait3A_277 = arith.constant 384 : i32
    %dma_wait3A_278 = arith.constant 0 : i32
    %dma_wait3A_279 = tpu.memref_slice %arg11[%dma_wait3A_277, %dma_wait3A_278] : memref<512x64xf32, #tpu.memory_space<vmem>> -> memref<128x64xf32, #tpu.memory_space<vmem>>
    %dma_wait3A_280 = arith.constant 0 : i32
    %dma_wait3A_281 = tpu.memref_slice %arg9[%dma_wait3A_276, %dma_wait3A_280] : memref<4x128xi32, #tpu.memory_space<vmem>> -> memref<1x128xi32, #tpu.memory_space<vmem>>
    %dma_wait3A_282 = tpu.memref_squeeze %dma_wait3A_281 : memref<1x128xi32, #tpu.memory_space<vmem>> -> memref<128xi32, #tpu.memory_space<vmem>>
    %dma_wait3A_283 = arith.constant 0 : i32
    %dma_wait3A_284 = arith.constant 0 : i32
    %dma_wait3A_285 = tpu.memref_slice %arg2[%dma_wait3A_283, %dma_wait3A_284] : memref<1000000x64xf32, #tpu.memory_space<hbm>> -> memref<1000000x64xf32, #tpu.memory_space<hbm>>
    tpu.wait_indirect_dma semaphore(%arg16 : memref<!tpu.dma_semaphore, #tpu.memory_space<semaphore_mem>>) src(%dma_wait3A_285 : memref<1000000x64xf32, #tpu.memory_space<hbm>>) dst(%dma_wait3A_279 : memref<128x64xf32, #tpu.memory_space<vmem>>)
    %dma_wait3A_286 = arith.constant 3 : i32
    %dma_wait3A_287 = arith.constant 384 : i32
    %dma_wait3A_288 = arith.constant 0 : i32
    %dma_wait3A_289 = tpu.memref_slice %arg12[%dma_wait3A_287, %dma_wait3A_288] : memref<512x64xf32, #tpu.memory_space<vmem>> -> memref<128x64xf32, #tpu.memory_space<vmem>>
    %dma_wait3A_290 = arith.constant 0 : i32
    %dma_wait3A_291 = tpu.memref_slice %arg10[%dma_wait3A_286, %dma_wait3A_290] : memref<4x128xi32, #tpu.memory_space<vmem>> -> memref<1x128xi32, #tpu.memory_space<vmem>>
    %dma_wait3A_292 = tpu.memref_squeeze %dma_wait3A_291 : memref<1x128xi32, #tpu.memory_space<vmem>> -> memref<128xi32, #tpu.memory_space<vmem>>
    %dma_wait3A_293 = arith.constant 0 : i32
    %dma_wait3A_294 = arith.constant 0 : i32
    %dma_wait3A_295 = tpu.memref_slice %arg3[%dma_wait3A_293, %dma_wait3A_294] : memref<1000000x64xf32, #tpu.memory_space<hbm>> -> memref<1000000x64xf32, #tpu.memory_space<hbm>>
    tpu.wait_indirect_dma semaphore(%arg17 : memref<!tpu.dma_semaphore, #tpu.memory_space<semaphore_mem>>) src(%dma_wait3A_295 : memref<1000000x64xf32, #tpu.memory_space<hbm>>) dst(%dma_wait3A_289 : memref<128x64xf32, #tpu.memory_space<vmem>>)
    %dma_wait3A_296 = arith.constant 3 : i32
    %dma_wait3A_297 = arith.constant 384 : i32
    %dma_wait3A_298 = tpu.memref_slice %arg13[%dma_wait3A_297] : memref<512xf32, #tpu.memory_space<vmem>> -> memref<128xf32, #tpu.memory_space<vmem>>
    %dma_wait3A_299 = arith.constant 0 : i32
    %dma_wait3A_300 = tpu.memref_slice %arg9[%dma_wait3A_296, %dma_wait3A_299] : memref<4x128xi32, #tpu.memory_space<vmem>> -> memref<1x128xi32, #tpu.memory_space<vmem>>
    %dma_wait3A_301 = tpu.memref_squeeze %dma_wait3A_300 : memref<1x128xi32, #tpu.memory_space<vmem>> -> memref<128xi32, #tpu.memory_space<vmem>>
    %dma_wait3A_302 = arith.constant 0 : i32
    %dma_wait3A_303 = tpu.memref_slice %arg4[%dma_wait3A_302] : memref<1000000xf32, #tpu.memory_space<hbm>> -> memref<1000000xf32, #tpu.memory_space<hbm>>
    tpu.wait_indirect_dma semaphore(%arg18 : memref<!tpu.dma_semaphore, #tpu.memory_space<semaphore_mem>>) src(%dma_wait3A_303 : memref<1000000xf32, #tpu.memory_space<hbm>>) dst(%dma_wait3A_298 : memref<128xf32, #tpu.memory_space<vmem>>)
    %dma_wait3A_304 = arith.constant 3 : i32
    %dma_wait3A_305 = arith.constant 384 : i32
    %dma_wait3A_306 = tpu.memref_slice %arg14[%dma_wait3A_305] : memref<512xf32, #tpu.memory_space<vmem>> -> memref<128xf32, #tpu.memory_space<vmem>>
    %dma_wait3A_307 = arith.constant 0 : i32
    %dma_wait3A_308 = tpu.memref_slice %arg10[%dma_wait3A_304, %dma_wait3A_307] : memref<4x128xi32, #tpu.memory_space<vmem>> -> memref<1x128xi32, #tpu.memory_space<vmem>>
    %dma_wait3A_309 = tpu.memref_squeeze %dma_wait3A_308 : memref<1x128xi32, #tpu.memory_space<vmem>> -> memref<128xi32, #tpu.memory_space<vmem>>
    %dma_wait3A_310 = arith.constant 0 : i32
    %dma_wait3A_311 = tpu.memref_slice %arg5[%dma_wait3A_310] : memref<1000000xf32, #tpu.memory_space<hbm>> -> memref<1000000xf32, #tpu.memory_space<hbm>>
    tpu.wait_indirect_dma semaphore(%arg19 : memref<!tpu.dma_semaphore, #tpu.memory_space<semaphore_mem>>) src(%dma_wait3A_311 : memref<1000000xf32, #tpu.memory_space<hbm>>) dst(%dma_wait3A_306 : memref<128xf32, #tpu.memory_space<vmem>>)
    %scan3A = arith.constant 0 : i32
    %scan3A_312 = arith.constant 0 : i32
    %scan3A_313 = arith.constant 32 : i32
    %scan3A_314 = arith.addi %scan3A_312, %scan3A_313 : i32
    %scan3A_315 = arith.constant 1 : i32
    scf.for %scan3A_317 = %scan3A_312 to %scan3A_314 step %scan3A_315  : i32 {
      %iota3A = tpu.iota {dimensions = array<i32: 0>} : vector<16xi32>
      %mul3A_318 = arith.constant 16 : i32
      %mul3A_319 = arith.muli %scan3A_317, %mul3A_318 : i32
      %add3A_320 = vector.broadcast %mul3A_319 : i32 to vector<16xi32>
      %add3A_321 = arith.addi %iota3A, %add3A_320 : vector<16xi32>
      %mul3A_322 = arith.constant 16 : i32
      %mul3A_323 = arith.muli %scan3A_317, %mul3A_322 : i32
      %get3A = arith.index_cast %mul3A_323 : i32 to index
      %get3A_324 = tpu.vector_load %arg13[%get3A] {strides = array<i32>} : memref<512xf32, #tpu.memory_space<vmem>>, vector<16xf32>,
      %mul3A_325 = arith.constant 16 : i32
      %mul3A_326 = arith.muli %scan3A_317, %mul3A_325 : i32
      %get3A_327 = arith.index_cast %mul3A_326 : i32 to index
      %get3A_328 = tpu.vector_load %arg14[%get3A_327] {strides = array<i32>} : memref<512xf32, #tpu.memory_space<vmem>>, vector<16xf32>,
      %add3A_329 = arith.addf %get3A_324, %get3A_328 : vector<16xf32>
      %broadcast_in_dim3A = arith.constant 0 : i32
      %broadcast_in_dim3A_330 = vector.broadcast %broadcast_in_dim3A : i32 to vector<16xi32>
      %gather3A = tpu.vector_load_idx %arg11[%add3A_321, %broadcast_in_dim3A_330] : memref<512x64xf32, #tpu.memory_space<vmem>>[vector<16xi32>, vector<16xi32>], vector<16xf32>,
      %gather3A_331 = tpu.vector_load_idx %arg12[%add3A_321, %broadcast_in_dim3A_330] : memref<512x64xf32, #tpu.memory_space<vmem>>[vector<16xi32>, vector<16xi32>], vector<16xf32>,
      %mul3A_332 = arith.mulf %gather3A, %gather3A_331 : vector<16xf32>
      %add3A_333 = arith.addf %add3A_329, %mul3A_332 : vector<16xf32>
      %broadcast_in_dim3A_334 = arith.constant 1 : i32
      %broadcast_in_dim3A_335 = vector.broadcast %broadcast_in_dim3A_334 : i32 to vector<16xi32>
      %gather3A_336 = tpu.vector_load_idx %arg11[%add3A_321, %broadcast_in_dim3A_335] : memref<512x64xf32, #tpu.memory_space<vmem>>[vector<16xi32>, vector<16xi32>], vector<16xf32>,
      %gather3A_337 = tpu.vector_load_idx %arg12[%add3A_321, %broadcast_in_dim3A_335] : memref<512x64xf32, #tpu.memory_space<vmem>>[vector<16xi32>, vector<16xi32>], vector<16xf32>,
      %mul3A_338 = arith.mulf %gather3A_336, %gather3A_337 : vector<16xf32>
      %add3A_339 = arith.addf %add3A_333, %mul3A_338 : vector<16xf32>
      %broadcast_in_dim3A_340 = arith.constant 2 : i32
      %broadcast_in_dim3A_341 = vector.broadcast %broadcast_in_dim3A_340 : i32 to vector<16xi32>
      %gather3A_342 = tpu.vector_load_idx %arg11[%add3A_321, %broadcast_in_dim3A_341] : memref<512x64xf32, #tpu.memory_space<vmem>>[vector<16xi32>, vector<16xi32>], vector<16xf32>,
      %gather3A_343 = tpu.vector_load_idx %arg12[%add3A_321, %broadcast_in_dim3A_341] : memref<512x64xf32, #tpu.memory_space<vmem>>[vector<16xi32>, vector<16xi32>], vector<16xf32>,
      %mul3A_344 = arith.mulf %gather3A_342, %gather3A_343 : vector<16xf32>
      %add3A_345 = arith.addf %add3A_339, %mul3A_344 : vector<16xf32>
      %broadcast_in_dim3A_346 = arith.constant 3 : i32
      %broadcast_in_dim3A_347 = vector.broadcast %broadcast_in_dim3A_346 : i32 to vector<16xi32>
      %gather3A_348 = tpu.vector_load_idx %arg11[%add3A_321, %broadcast_in_dim3A_347] : memref<512x64xf32, #tpu.memory_space<vmem>>[vector<16xi32>, vector<16xi32>], vector<16xf32>,
      %gather3A_349 = tpu.vector_load_idx %arg12[%add3A_321, %broadcast_in_dim3A_347] : memref<512x64xf32, #tpu.memory_space<vmem>>[vector<16xi32>, vector<16xi32>], vector<16xf32>,
      %mul3A_350 = arith.mulf %gather3A_348, %gather3A_349 : vector<16xf32>
      %add3A_351 = arith.addf %add3A_345, %mul3A_350 : vector<16xf32>
      %broadcast_in_dim3A_352 = arith.constant 4 : i32
      %broadcast_in_dim3A_353 = vector.broadcast %broadcast_in_dim3A_352 : i32 to vector<16xi32>
      %gather3A_354 = tpu.vector_load_idx %arg11[%add3A_321, %broadcast_in_dim3A_353] : memref<512x64xf32, #tpu.memory_space<vmem>>[vector<16xi32>, vector<16xi32>], vector<16xf32>,
      %gather3A_355 = tpu.vector_load_idx %arg12[%add3A_321, %broadcast_in_dim3A_353] : memref<512x64xf32, #tpu.memory_space<vmem>>[vector<16xi32>, vector<16xi32>], vector<16xf32>,
      %mul3A_356 = arith.mulf %gather3A_354, %gather3A_355 : vector<16xf32>
      %add3A_357 = arith.addf %add3A_351, %mul3A_356 : vector<16xf32>
      %broadcast_in_dim3A_358 = arith.constant 5 : i32
      %broadcast_in_dim3A_359 = vector.broadcast %broadcast_in_dim3A_358 : i32 to vector<16xi32>
      %gather3A_360 = tpu.vector_load_idx %arg11[%add3A_321, %broadcast_in_dim3A_359] : memref<512x64xf32, #tpu.memory_space<vmem>>[vector<16xi32>, vector<16xi32>], vector<16xf32>,
      %gather3A_361 = tpu.vector_load_idx %arg12[%add3A_321, %broadcast_in_dim3A_359] : memref<512x64xf32, #tpu.memory_space<vmem>>[vector<16xi32>, vector<16xi32>], vector<16xf32>,
      %mul3A_362 = arith.mulf %gather3A_360, %gather3A_361 : vector<16xf32>
      %add3A_363 = arith.addf %add3A_357, %mul3A_362 : vector<16xf32>
      %broadcast_in_dim3A_364 = arith.constant 6 : i32
      %broadcast_in_dim3A_365 = vector.broadcast %broadcast_in_dim3A_364 : i32 to vector<16xi32>
      %gather3A_366 = tpu.vector_load_idx %arg11[%add3A_321, %broadcast_in_dim3A_365] : memref<512x64xf32, #tpu.memory_space<vmem>>[vector<16xi32>, vector<16xi32>], vector<16xf32>,
      %gather3A_367 = tpu.vector_load_idx %arg12[%add3A_321, %broadcast_in_dim3A_365] : memref<512x64xf32, #tpu.memory_space<vmem>>[vector<16xi32>, vector<16xi32>], vector<16xf32>,
      %mul3A_368 = arith.mulf %gather3A_366, %gather3A_367 : vector<16xf32>
      %add3A_369 = arith.addf %add3A_363, %mul3A_368 : vector<16xf32>
      %broadcast_in_dim3A_370 = arith.constant 7 : i32
      %broadcast_in_dim3A_371 = vector.broadcast %broadcast_in_dim3A_370 : i32 to vector<16xi32>
      %gather3A_372 = tpu.vector_load_idx %arg11[%add3A_321, %broadcast_in_dim3A_371] : memref<512x64xf32, #tpu.memory_space<vmem>>[vector<16xi32>, vector<16xi32>], vector<16xf32>,
      %gather3A_373 = tpu.vector_load_idx %arg12[%add3A_321, %broadcast_in_dim3A_371] : memref<512x64xf32, #tpu.memory_space<vmem>>[vector<16xi32>, vector<16xi32>], vector<16xf32>,
      %mul3A_374 = arith.mulf %gather3A_372, %gather3A_373 : vector<16xf32>
      %add3A_375 = arith.addf %add3A_369, %mul3A_374 : vector<16xf32>
      %broadcast_in_dim3A_376 = arith.constant 8 : i32
      %broadcast_in_dim3A_377 = vector.broadcast %broadcast_in_dim3A_376 : i32 to vector<16xi32>
      %gather3A_378 = tpu.vector_load_idx %arg11[%add3A_321, %broadcast_in_dim3A_377] : memref<512x64xf32, #tpu.memory_space<vmem>>[vector<16xi32>, vector<16xi32>], vector<16xf32>,
      %gather3A_379 = tpu.vector_load_idx %arg12[%add3A_321, %broadcast_in_dim3A_377] : memref<512x64xf32, #tpu.memory_space<vmem>>[vector<16xi32>, vector<16xi32>], vector<16xf32>,
      %mul3A_380 = arith.mulf %gather3A_378, %gather3A_379 : vector<16xf32>
      %add3A_381 = arith.addf %add3A_375, %mul3A_380 : vector<16xf32>
      %broadcast_in_dim3A_382 = arith.constant 9 : i32
      %broadcast_in_dim3A_383 = vector.broadcast %broadcast_in_dim3A_382 : i32 to vector<16xi32>
      %gather3A_384 = tpu.vector_load_idx %arg11[%add3A_321, %broadcast_in_dim3A_383] : memref<512x64xf32, #tpu.memory_space<vmem>>[vector<16xi32>, vector<16xi32>], vector<16xf32>,
      %gather3A_385 = tpu.vector_load_idx %arg12[%add3A_321, %broadcast_in_dim3A_383] : memref<512x64xf32, #tpu.memory_space<vmem>>[vector<16xi32>, vector<16xi32>], vector<16xf32>,
      %mul3A_386 = arith.mulf %gather3A_384, %gather3A_385 : vector<16xf32>
      %add3A_387 = arith.addf %add3A_381, %mul3A_386 : vector<16xf32>
      %broadcast_in_dim3A_388 = arith.constant 10 : i32
      %broadcast_in_dim3A_389 = vector.broadcast %broadcast_in_dim3A_388 : i32 to vector<16xi32>
      %gather3A_390 = tpu.vector_load_idx %arg11[%add3A_321, %broadcast_in_dim3A_389] : memref<512x64xf32, #tpu.memory_space<vmem>>[vector<16xi32>, vector<16xi32>], vector<16xf32>,
      %gather3A_391 = tpu.vector_load_idx %arg12[%add3A_321, %broadcast_in_dim3A_389] : memref<512x64xf32, #tpu.memory_space<vmem>>[vector<16xi32>, vector<16xi32>], vector<16xf32>,
      %mul3A_392 = arith.mulf %gather3A_390, %gather3A_391 : vector<16xf32>
      %add3A_393 = arith.addf %add3A_387, %mul3A_392 : vector<16xf32>
      %broadcast_in_dim3A_394 = arith.constant 11 : i32
      %broadcast_in_dim3A_395 = vector.broadcast %broadcast_in_dim3A_394 : i32 to vector<16xi32>
      %gather3A_396 = tpu.vector_load_idx %arg11[%add3A_321, %broadcast_in_dim3A_395] : memref<512x64xf32, #tpu.memory_space<vmem>>[vector<16xi32>, vector<16xi32>], vector<16xf32>,
      %gather3A_397 = tpu.vector_load_idx %arg12[%add3A_321, %broadcast_in_dim3A_395] : memref<512x64xf32, #tpu.memory_space<vmem>>[vector<16xi32>, vector<16xi32>], vector<16xf32>,
      %mul3A_398 = arith.mulf %gather3A_396, %gather3A_397 : vector<16xf32>
      %add3A_399 = arith.addf %add3A_393, %mul3A_398 : vector<16xf32>
      %broadcast_in_dim3A_400 = arith.constant 12 : i32
      %broadcast_in_dim3A_401 = vector.broadcast %broadcast_in_dim3A_400 : i32 to vector<16xi32>
      %gather3A_402 = tpu.vector_load_idx %arg11[%add3A_321, %broadcast_in_dim3A_401] : memref<512x64xf32, #tpu.memory_space<vmem>>[vector<16xi32>, vector<16xi32>], vector<16xf32>,
      %gather3A_403 = tpu.vector_load_idx %arg12[%add3A_321, %broadcast_in_dim3A_401] : memref<512x64xf32, #tpu.memory_space<vmem>>[vector<16xi32>, vector<16xi32>], vector<16xf32>,
      %mul3A_404 = arith.mulf %gather3A_402, %gather3A_403 : vector<16xf32>
      %add3A_405 = arith.addf %add3A_399, %mul3A_404 : vector<16xf32>
      %broadcast_in_dim3A_406 = arith.constant 13 : i32
      %broadcast_in_dim3A_407 = vector.broadcast %broadcast_in_dim3A_406 : i32 to vector<16xi32>
      %gather3A_408 = tpu.vector_load_idx %arg11[%add3A_321, %broadcast_in_dim3A_407] : memref<512x64xf32, #tpu.memory_space<vmem>>[vector<16xi32>, vector<16xi32>], vector<16xf32>,
      %gather3A_409 = tpu.vector_load_idx %arg12[%add3A_321, %broadcast_in_dim3A_407] : memref<512x64xf32, #tpu.memory_space<vmem>>[vector<16xi32>, vector<16xi32>], vector<16xf32>,
      %mul3A_410 = arith.mulf %gather3A_408, %gather3A_409 : vector<16xf32>
      %add3A_411 = arith.addf %add3A_405, %mul3A_410 : vector<16xf32>
      %broadcast_in_dim3A_412 = arith.constant 14 : i32
      %broadcast_in_dim3A_413 = vector.broadcast %broadcast_in_dim3A_412 : i32 to vector<16xi32>
      %gather3A_414 = tpu.vector_load_idx %arg11[%add3A_321, %broadcast_in_dim3A_413] : memref<512x64xf32, #tpu.memory_space<vmem>>[vector<16xi32>, vector<16xi32>], vector<16xf32>,
      %gather3A_415 = tpu.vector_load_idx %arg12[%add3A_321, %broadcast_in_dim3A_413] : memref<512x64xf32, #tpu.memory_space<vmem>>[vector<16xi32>, vector<16xi32>], vector<16xf32>,
      %mul3A_416 = arith.mulf %gather3A_414, %gather3A_415 : vector<16xf32>
      %add3A_417 = arith.addf %add3A_411, %mul3A_416 : vector<16xf32>
      %broadcast_in_dim3A_418 = arith.constant 15 : i32
      %broadcast_in_dim3A_419 = vector.broadcast %broadcast_in_dim3A_418 : i32 to vector<16xi32>
      %gather3A_420 = tpu.vector_load_idx %arg11[%add3A_321, %broadcast_in_dim3A_419] : memref<512x64xf32, #tpu.memory_space<vmem>>[vector<16xi32>, vector<16xi32>], vector<16xf32>,
      %gather3A_421 = tpu.vector_load_idx %arg12[%add3A_321, %broadcast_in_dim3A_419] : memref<512x64xf32, #tpu.memory_space<vmem>>[vector<16xi32>, vector<16xi32>], vector<16xf32>,
      %mul3A_422 = arith.mulf %gather3A_420, %gather3A_421 : vector<16xf32>
      %add3A_423 = arith.addf %add3A_417, %mul3A_422 : vector<16xf32>
      %broadcast_in_dim3A_424 = arith.constant 16 : i32
      %broadcast_in_dim3A_425 = vector.broadcast %broadcast_in_dim3A_424 : i32 to vector<16xi32>
      %gather3A_426 = tpu.vector_load_idx %arg11[%add3A_321, %broadcast_in_dim3A_425] : memref<512x64xf32, #tpu.memory_space<vmem>>[vector<16xi32>, vector<16xi32>], vector<16xf32>,
      %gather3A_427 = tpu.vector_load_idx %arg12[%add3A_321, %broadcast_in_dim3A_425] : memref<512x64xf32, #tpu.memory_space<vmem>>[vector<16xi32>, vector<16xi32>], vector<16xf32>,
      %mul3A_428 = arith.mulf %gather3A_426, %gather3A_427 : vector<16xf32>
      %add3A_429 = arith.addf %add3A_423, %mul3A_428 : vector<16xf32>
      %broadcast_in_dim3A_430 = arith.constant 17 : i32
      %broadcast_in_dim3A_431 = vector.broadcast %broadcast_in_dim3A_430 : i32 to vector<16xi32>
      %gather3A_432 = tpu.vector_load_idx %arg11[%add3A_321, %broadcast_in_dim3A_431] : memref<512x64xf32, #tpu.memory_space<vmem>>[vector<16xi32>, vector<16xi32>], vector<16xf32>,
      %gather3A_433 = tpu.vector_load_idx %arg12[%add3A_321, %broadcast_in_dim3A_431] : memref<512x64xf32, #tpu.memory_space<vmem>>[vector<16xi32>, vector<16xi32>], vector<16xf32>,
      %mul3A_434 = arith.mulf %gather3A_432, %gather3A_433 : vector<16xf32>
      %add3A_435 = arith.addf %add3A_429, %mul3A_434 : vector<16xf32>
      %broadcast_in_dim3A_436 = arith.constant 18 : i32
      %broadcast_in_dim3A_437 = vector.broadcast %broadcast_in_dim3A_436 : i32 to vector<16xi32>
      %gather3A_438 = tpu.vector_load_idx %arg11[%add3A_321, %broadcast_in_dim3A_437] : memref<512x64xf32, #tpu.memory_space<vmem>>[vector<16xi32>, vector<16xi32>], vector<16xf32>,
      %gather3A_439 = tpu.vector_load_idx %arg12[%add3A_321, %broadcast_in_dim3A_437] : memref<512x64xf32, #tpu.memory_space<vmem>>[vector<16xi32>, vector<16xi32>], vector<16xf32>,
      %mul3A_440 = arith.mulf %gather3A_438, %gather3A_439 : vector<16xf32>
      %add3A_441 = arith.addf %add3A_435, %mul3A_440 : vector<16xf32>
      %broadcast_in_dim3A_442 = arith.constant 19 : i32
      %broadcast_in_dim3A_443 = vector.broadcast %broadcast_in_dim3A_442 : i32 to vector<16xi32>
      %gather3A_444 = tpu.vector_load_idx %arg11[%add3A_321, %broadcast_in_dim3A_443] : memref<512x64xf32, #tpu.memory_space<vmem>>[vector<16xi32>, vector<16xi32>], vector<16xf32>,
      %gather3A_445 = tpu.vector_load_idx %arg12[%add3A_321, %broadcast_in_dim3A_443] : memref<512x64xf32, #tpu.memory_space<vmem>>[vector<16xi32>, vector<16xi32>], vector<16xf32>,
      %mul3A_446 = arith.mulf %gather3A_444, %gather3A_445 : vector<16xf32>
      %add3A_447 = arith.addf %add3A_441, %mul3A_446 : vector<16xf32>
      %broadcast_in_dim3A_448 = arith.constant 20 : i32
      %broadcast_in_dim3A_449 = vector.broadcast %broadcast_in_dim3A_448 : i32 to vector<16xi32>
      %gather3A_450 = tpu.vector_load_idx %arg11[%add3A_321, %broadcast_in_dim3A_449] : memref<512x64xf32, #tpu.memory_space<vmem>>[vector<16xi32>, vector<16xi32>], vector<16xf32>,
      %gather3A_451 = tpu.vector_load_idx %arg12[%add3A_321, %broadcast_in_dim3A_449] : memref<512x64xf32, #tpu.memory_space<vmem>>[vector<16xi32>, vector<16xi32>], vector<16xf32>,
      %mul3A_452 = arith.mulf %gather3A_450, %gather3A_451 : vector<16xf32>
      %add3A_453 = arith.addf %add3A_447, %mul3A_452 : vector<16xf32>
      %broadcast_in_dim3A_454 = arith.constant 21 : i32
      %broadcast_in_dim3A_455 = vector.broadcast %broadcast_in_dim3A_454 : i32 to vector<16xi32>
      %gather3A_456 = tpu.vector_load_idx %arg11[%add3A_321, %broadcast_in_dim3A_455] : memref<512x64xf32, #tpu.memory_space<vmem>>[vector<16xi32>, vector<16xi32>], vector<16xf32>,
      %gather3A_457 = tpu.vector_load_idx %arg12[%add3A_321, %broadcast_in_dim3A_455] : memref<512x64xf32, #tpu.memory_space<vmem>>[vector<16xi32>, vector<16xi32>], vector<16xf32>,
      %mul3A_458 = arith.mulf %gather3A_456, %gather3A_457 : vector<16xf32>
      %add3A_459 = arith.addf %add3A_453, %mul3A_458 : vector<16xf32>
      %broadcast_in_dim3A_460 = arith.constant 22 : i32
      %broadcast_in_dim3A_461 = vector.broadcast %broadcast_in_dim3A_460 : i32 to vector<16xi32>
      %gather3A_462 = tpu.vector_load_idx %arg11[%add3A_321, %broadcast_in_dim3A_461] : memref<512x64xf32, #tpu.memory_space<vmem>>[vector<16xi32>, vector<16xi32>], vector<16xf32>,
      %gather3A_463 = tpu.vector_load_idx %arg12[%add3A_321, %broadcast_in_dim3A_461] : memref<512x64xf32, #tpu.memory_space<vmem>>[vector<16xi32>, vector<16xi32>], vector<16xf32>,
      %mul3A_464 = arith.mulf %gather3A_462, %gather3A_463 : vector<16xf32>
      %add3A_465 = arith.addf %add3A_459, %mul3A_464 : vector<16xf32>
      %broadcast_in_dim3A_466 = arith.constant 23 : i32
      %broadcast_in_dim3A_467 = vector.broadcast %broadcast_in_dim3A_466 : i32 to vector<16xi32>
      %gather3A_468 = tpu.vector_load_idx %arg11[%add3A_321, %broadcast_in_dim3A_467] : memref<512x64xf32, #tpu.memory_space<vmem>>[vector<16xi32>, vector<16xi32>], vector<16xf32>,
      %gather3A_469 = tpu.vector_load_idx %arg12[%add3A_321, %broadcast_in_dim3A_467] : memref<512x64xf32, #tpu.memory_space<vmem>>[vector<16xi32>, vector<16xi32>], vector<16xf32>,
      %mul3A_470 = arith.mulf %gather3A_468, %gather3A_469 : vector<16xf32>
      %add3A_471 = arith.addf %add3A_465, %mul3A_470 : vector<16xf32>
      %broadcast_in_dim3A_472 = arith.constant 24 : i32
      %broadcast_in_dim3A_473 = vector.broadcast %broadcast_in_dim3A_472 : i32 to vector<16xi32>
      %gather3A_474 = tpu.vector_load_idx %arg11[%add3A_321, %broadcast_in_dim3A_473] : memref<512x64xf32, #tpu.memory_space<vmem>>[vector<16xi32>, vector<16xi32>], vector<16xf32>,
      %gather3A_475 = tpu.vector_load_idx %arg12[%add3A_321, %broadcast_in_dim3A_473] : memref<512x64xf32, #tpu.memory_space<vmem>>[vector<16xi32>, vector<16xi32>], vector<16xf32>,
      %mul3A_476 = arith.mulf %gather3A_474, %gather3A_475 : vector<16xf32>
      %add3A_477 = arith.addf %add3A_471, %mul3A_476 : vector<16xf32>
      %broadcast_in_dim3A_478 = arith.constant 25 : i32
      %broadcast_in_dim3A_479 = vector.broadcast %broadcast_in_dim3A_478 : i32 to vector<16xi32>
      %gather3A_480 = tpu.vector_load_idx %arg11[%add3A_321, %broadcast_in_dim3A_479] : memref<512x64xf32, #tpu.memory_space<vmem>>[vector<16xi32>, vector<16xi32>], vector<16xf32>,
      %gather3A_481 = tpu.vector_load_idx %arg12[%add3A_321, %broadcast_in_dim3A_479] : memref<512x64xf32, #tpu.memory_space<vmem>>[vector<16xi32>, vector<16xi32>], vector<16xf32>,
      %mul3A_482 = arith.mulf %gather3A_480, %gather3A_481 : vector<16xf32>
      %add3A_483 = arith.addf %add3A_477, %mul3A_482 : vector<16xf32>
      %broadcast_in_dim3A_484 = arith.constant 26 : i32
      %broadcast_in_dim3A_485 = vector.broadcast %broadcast_in_dim3A_484 : i32 to vector<16xi32>
      %gather3A_486 = tpu.vector_load_idx %arg11[%add3A_321, %broadcast_in_dim3A_485] : memref<512x64xf32, #tpu.memory_space<vmem>>[vector<16xi32>, vector<16xi32>], vector<16xf32>,
      %gather3A_487 = tpu.vector_load_idx %arg12[%add3A_321, %broadcast_in_dim3A_485] : memref<512x64xf32, #tpu.memory_space<vmem>>[vector<16xi32>, vector<16xi32>], vector<16xf32>,
      %mul3A_488 = arith.mulf %gather3A_486, %gather3A_487 : vector<16xf32>
      %add3A_489 = arith.addf %add3A_483, %mul3A_488 : vector<16xf32>
      %broadcast_in_dim3A_490 = arith.constant 27 : i32
      %broadcast_in_dim3A_491 = vector.broadcast %broadcast_in_dim3A_490 : i32 to vector<16xi32>
      %gather3A_492 = tpu.vector_load_idx %arg11[%add3A_321, %broadcast_in_dim3A_491] : memref<512x64xf32, #tpu.memory_space<vmem>>[vector<16xi32>, vector<16xi32>], vector<16xf32>,
      %gather3A_493 = tpu.vector_load_idx %arg12[%add3A_321, %broadcast_in_dim3A_491] : memref<512x64xf32, #tpu.memory_space<vmem>>[vector<16xi32>, vector<16xi32>], vector<16xf32>,
      %mul3A_494 = arith.mulf %gather3A_492, %gather3A_493 : vector<16xf32>
      %add3A_495 = arith.addf %add3A_489, %mul3A_494 : vector<16xf32>
      %broadcast_in_dim3A_496 = arith.constant 28 : i32
      %broadcast_in_dim3A_497 = vector.broadcast %broadcast_in_dim3A_496 : i32 to vector<16xi32>
      %gather3A_498 = tpu.vector_load_idx %arg11[%add3A_321, %broadcast_in_dim3A_497] : memref<512x64xf32, #tpu.memory_space<vmem>>[vector<16xi32>, vector<16xi32>], vector<16xf32>,
      %gather3A_499 = tpu.vector_load_idx %arg12[%add3A_321, %broadcast_in_dim3A_497] : memref<512x64xf32, #tpu.memory_space<vmem>>[vector<16xi32>, vector<16xi32>], vector<16xf32>,
      %mul3A_500 = arith.mulf %gather3A_498, %gather3A_499 : vector<16xf32>
      %add3A_501 = arith.addf %add3A_495, %mul3A_500 : vector<16xf32>
      %broadcast_in_dim3A_502 = arith.constant 29 : i32
      %broadcast_in_dim3A_503 = vector.broadcast %broadcast_in_dim3A_502 : i32 to vector<16xi32>
      %gather3A_504 = tpu.vector_load_idx %arg11[%add3A_321, %broadcast_in_dim3A_503] : memref<512x64xf32, #tpu.memory_space<vmem>>[vector<16xi32>, vector<16xi32>], vector<16xf32>,
      %gather3A_505 = tpu.vector_load_idx %arg12[%add3A_321, %broadcast_in_dim3A_503] : memref<512x64xf32, #tpu.memory_space<vmem>>[vector<16xi32>, vector<16xi32>], vector<16xf32>,
      %mul3A_506 = arith.mulf %gather3A_504, %gather3A_505 : vector<16xf32>
      %add3A_507 = arith.addf %add3A_501, %mul3A_506 : vector<16xf32>
      %broadcast_in_dim3A_508 = arith.constant 30 : i32
      %broadcast_in_dim3A_509 = vector.broadcast %broadcast_in_dim3A_508 : i32 to vector<16xi32>
      %gather3A_510 = tpu.vector_load_idx %arg11[%add3A_321, %broadcast_in_dim3A_509] : memref<512x64xf32, #tpu.memory_space<vmem>>[vector<16xi32>, vector<16xi32>], vector<16xf32>,
      %gather3A_511 = tpu.vector_load_idx %arg12[%add3A_321, %broadcast_in_dim3A_509] : memref<512x64xf32, #tpu.memory_space<vmem>>[vector<16xi32>, vector<16xi32>], vector<16xf32>,
      %mul3A_512 = arith.mulf %gather3A_510, %gather3A_511 : vector<16xf32>
      %add3A_513 = arith.addf %add3A_507, %mul3A_512 : vector<16xf32>
      %broadcast_in_dim3A_514 = arith.constant 31 : i32
      %broadcast_in_dim3A_515 = vector.broadcast %broadcast_in_dim3A_514 : i32 to vector<16xi32>
      %gather3A_516 = tpu.vector_load_idx %arg11[%add3A_321, %broadcast_in_dim3A_515] : memref<512x64xf32, #tpu.memory_space<vmem>>[vector<16xi32>, vector<16xi32>], vector<16xf32>,
      %gather3A_517 = tpu.vector_load_idx %arg12[%add3A_321, %broadcast_in_dim3A_515] : memref<512x64xf32, #tpu.memory_space<vmem>>[vector<16xi32>, vector<16xi32>], vector<16xf32>,
      %mul3A_518 = arith.mulf %gather3A_516, %gather3A_517 : vector<16xf32>
      %add3A_519 = arith.addf %add3A_513, %mul3A_518 : vector<16xf32>
      %broadcast_in_dim3A_520 = arith.constant 32 : i32
      %broadcast_in_dim3A_521 = vector.broadcast %broadcast_in_dim3A_520 : i32 to vector<16xi32>
      %gather3A_522 = tpu.vector_load_idx %arg11[%add3A_321, %broadcast_in_dim3A_521] : memref<512x64xf32, #tpu.memory_space<vmem>>[vector<16xi32>, vector<16xi32>], vector<16xf32>,
      %gather3A_523 = tpu.vector_load_idx %arg12[%add3A_321, %broadcast_in_dim3A_521] : memref<512x64xf32, #tpu.memory_space<vmem>>[vector<16xi32>, vector<16xi32>], vector<16xf32>,
      %mul3A_524 = arith.mulf %gather3A_522, %gather3A_523 : vector<16xf32>
      %add3A_525 = arith.addf %add3A_519, %mul3A_524 : vector<16xf32>
      %broadcast_in_dim3A_526 = arith.constant 33 : i32
      %broadcast_in_dim3A_527 = vector.broadcast %broadcast_in_dim3A_526 : i32 to vector<16xi32>
      %gather3A_528 = tpu.vector_load_idx %arg11[%add3A_321, %broadcast_in_dim3A_527] : memref<512x64xf32, #tpu.memory_space<vmem>>[vector<16xi32>, vector<16xi32>], vector<16xf32>,
      %gather3A_529 = tpu.vector_load_idx %arg12[%add3A_321, %broadcast_in_dim3A_527] : memref<512x64xf32, #tpu.memory_space<vmem>>[vector<16xi32>, vector<16xi32>], vector<16xf32>,
      %mul3A_530 = arith.mulf %gather3A_528, %gather3A_529 : vector<16xf32>
      %add3A_531 = arith.addf %add3A_525, %mul3A_530 : vector<16xf32>
      %broadcast_in_dim3A_532 = arith.constant 34 : i32
      %broadcast_in_dim3A_533 = vector.broadcast %broadcast_in_dim3A_532 : i32 to vector<16xi32>
      %gather3A_534 = tpu.vector_load_idx %arg11[%add3A_321, %broadcast_in_dim3A_533] : memref<512x64xf32, #tpu.memory_space<vmem>>[vector<16xi32>, vector<16xi32>], vector<16xf32>,
      %gather3A_535 = tpu.vector_load_idx %arg12[%add3A_321, %broadcast_in_dim3A_533] : memref<512x64xf32, #tpu.memory_space<vmem>>[vector<16xi32>, vector<16xi32>], vector<16xf32>,
      %mul3A_536 = arith.mulf %gather3A_534, %gather3A_535 : vector<16xf32>
      %add3A_537 = arith.addf %add3A_531, %mul3A_536 : vector<16xf32>
      %broadcast_in_dim3A_538 = arith.constant 35 : i32
      %broadcast_in_dim3A_539 = vector.broadcast %broadcast_in_dim3A_538 : i32 to vector<16xi32>
      %gather3A_540 = tpu.vector_load_idx %arg11[%add3A_321, %broadcast_in_dim3A_539] : memref<512x64xf32, #tpu.memory_space<vmem>>[vector<16xi32>, vector<16xi32>], vector<16xf32>,
      %gather3A_541 = tpu.vector_load_idx %arg12[%add3A_321, %broadcast_in_dim3A_539] : memref<512x64xf32, #tpu.memory_space<vmem>>[vector<16xi32>, vector<16xi32>], vector<16xf32>,
      %mul3A_542 = arith.mulf %gather3A_540, %gather3A_541 : vector<16xf32>
      %add3A_543 = arith.addf %add3A_537, %mul3A_542 : vector<16xf32>
      %broadcast_in_dim3A_544 = arith.constant 36 : i32
      %broadcast_in_dim3A_545 = vector.broadcast %broadcast_in_dim3A_544 : i32 to vector<16xi32>
      %gather3A_546 = tpu.vector_load_idx %arg11[%add3A_321, %broadcast_in_dim3A_545] : memref<512x64xf32, #tpu.memory_space<vmem>>[vector<16xi32>, vector<16xi32>], vector<16xf32>,
      %gather3A_547 = tpu.vector_load_idx %arg12[%add3A_321, %broadcast_in_dim3A_545] : memref<512x64xf32, #tpu.memory_space<vmem>>[vector<16xi32>, vector<16xi32>], vector<16xf32>,
      %mul3A_548 = arith.mulf %gather3A_546, %gather3A_547 : vector<16xf32>
      %add3A_549 = arith.addf %add3A_543, %mul3A_548 : vector<16xf32>
      %broadcast_in_dim3A_550 = arith.constant 37 : i32
      %broadcast_in_dim3A_551 = vector.broadcast %broadcast_in_dim3A_550 : i32 to vector<16xi32>
      %gather3A_552 = tpu.vector_load_idx %arg11[%add3A_321, %broadcast_in_dim3A_551] : memref<512x64xf32, #tpu.memory_space<vmem>>[vector<16xi32>, vector<16xi32>], vector<16xf32>,
      %gather3A_553 = tpu.vector_load_idx %arg12[%add3A_321, %broadcast_in_dim3A_551] : memref<512x64xf32, #tpu.memory_space<vmem>>[vector<16xi32>, vector<16xi32>], vector<16xf32>,
      %mul3A_554 = arith.mulf %gather3A_552, %gather3A_553 : vector<16xf32>
      %add3A_555 = arith.addf %add3A_549, %mul3A_554 : vector<16xf32>
      %broadcast_in_dim3A_556 = arith.constant 38 : i32
      %broadcast_in_dim3A_557 = vector.broadcast %broadcast_in_dim3A_556 : i32 to vector<16xi32>
      %gather3A_558 = tpu.vector_load_idx %arg11[%add3A_321, %broadcast_in_dim3A_557] : memref<512x64xf32, #tpu.memory_space<vmem>>[vector<16xi32>, vector<16xi32>], vector<16xf32>,
      %gather3A_559 = tpu.vector_load_idx %arg12[%add3A_321, %broadcast_in_dim3A_557] : memref<512x64xf32, #tpu.memory_space<vmem>>[vector<16xi32>, vector<16xi32>], vector<16xf32>,
      %mul3A_560 = arith.mulf %gather3A_558, %gather3A_559 : vector<16xf32>
      %add3A_561 = arith.addf %add3A_555, %mul3A_560 : vector<16xf32>
      %broadcast_in_dim3A_562 = arith.constant 39 : i32
      %broadcast_in_dim3A_563 = vector.broadcast %broadcast_in_dim3A_562 : i32 to vector<16xi32>
      %gather3A_564 = tpu.vector_load_idx %arg11[%add3A_321, %broadcast_in_dim3A_563] : memref<512x64xf32, #tpu.memory_space<vmem>>[vector<16xi32>, vector<16xi32>], vector<16xf32>,
      %gather3A_565 = tpu.vector_load_idx %arg12[%add3A_321, %broadcast_in_dim3A_563] : memref<512x64xf32, #tpu.memory_space<vmem>>[vector<16xi32>, vector<16xi32>], vector<16xf32>,
      %mul3A_566 = arith.mulf %gather3A_564, %gather3A_565 : vector<16xf32>
      %add3A_567 = arith.addf %add3A_561, %mul3A_566 : vector<16xf32>
      %broadcast_in_dim3A_568 = arith.constant 40 : i32
      %broadcast_in_dim3A_569 = vector.broadcast %broadcast_in_dim3A_568 : i32 to vector<16xi32>
      %gather3A_570 = tpu.vector_load_idx %arg11[%add3A_321, %broadcast_in_dim3A_569] : memref<512x64xf32, #tpu.memory_space<vmem>>[vector<16xi32>, vector<16xi32>], vector<16xf32>,
      %gather3A_571 = tpu.vector_load_idx %arg12[%add3A_321, %broadcast_in_dim3A_569] : memref<512x64xf32, #tpu.memory_space<vmem>>[vector<16xi32>, vector<16xi32>], vector<16xf32>,
      %mul3A_572 = arith.mulf %gather3A_570, %gather3A_571 : vector<16xf32>
      %add3A_573 = arith.addf %add3A_567, %mul3A_572 : vector<16xf32>
      %broadcast_in_dim3A_574 = arith.constant 41 : i32
      %broadcast_in_dim3A_575 = vector.broadcast %broadcast_in_dim3A_574 : i32 to vector<16xi32>
      %gather3A_576 = tpu.vector_load_idx %arg11[%add3A_321, %broadcast_in_dim3A_575] : memref<512x64xf32, #tpu.memory_space<vmem>>[vector<16xi32>, vector<16xi32>], vector<16xf32>,
      %gather3A_577 = tpu.vector_load_idx %arg12[%add3A_321, %broadcast_in_dim3A_575] : memref<512x64xf32, #tpu.memory_space<vmem>>[vector<16xi32>, vector<16xi32>], vector<16xf32>,
      %mul3A_578 = arith.mulf %gather3A_576, %gather3A_577 : vector<16xf32>
      %add3A_579 = arith.addf %add3A_573, %mul3A_578 : vector<16xf32>
      %broadcast_in_dim3A_580 = arith.constant 42 : i32
      %broadcast_in_dim3A_581 = vector.broadcast %broadcast_in_dim3A_580 : i32 to vector<16xi32>
      %gather3A_582 = tpu.vector_load_idx %arg11[%add3A_321, %broadcast_in_dim3A_581] : memref<512x64xf32, #tpu.memory_space<vmem>>[vector<16xi32>, vector<16xi32>], vector<16xf32>,
      %gather3A_583 = tpu.vector_load_idx %arg12[%add3A_321, %broadcast_in_dim3A_581] : memref<512x64xf32, #tpu.memory_space<vmem>>[vector<16xi32>, vector<16xi32>], vector<16xf32>,
      %mul3A_584 = arith.mulf %gather3A_582, %gather3A_583 : vector<16xf32>
      %add3A_585 = arith.addf %add3A_579, %mul3A_584 : vector<16xf32>
      %broadcast_in_dim3A_586 = arith.constant 43 : i32
      %broadcast_in_dim3A_587 = vector.broadcast %broadcast_in_dim3A_586 : i32 to vector<16xi32>
      %gather3A_588 = tpu.vector_load_idx %arg11[%add3A_321, %broadcast_in_dim3A_587] : memref<512x64xf32, #tpu.memory_space<vmem>>[vector<16xi32>, vector<16xi32>], vector<16xf32>,
      %gather3A_589 = tpu.vector_load_idx %arg12[%add3A_321, %broadcast_in_dim3A_587] : memref<512x64xf32, #tpu.memory_space<vmem>>[vector<16xi32>, vector<16xi32>], vector<16xf32>,
      %mul3A_590 = arith.mulf %gather3A_588, %gather3A_589 : vector<16xf32>
      %add3A_591 = arith.addf %add3A_585, %mul3A_590 : vector<16xf32>
      %broadcast_in_dim3A_592 = arith.constant 44 : i32
      %broadcast_in_dim3A_593 = vector.broadcast %broadcast_in_dim3A_592 : i32 to vector<16xi32>
      %gather3A_594 = tpu.vector_load_idx %arg11[%add3A_321, %broadcast_in_dim3A_593] : memref<512x64xf32, #tpu.memory_space<vmem>>[vector<16xi32>, vector<16xi32>], vector<16xf32>,
      %gather3A_595 = tpu.vector_load_idx %arg12[%add3A_321, %broadcast_in_dim3A_593] : memref<512x64xf32, #tpu.memory_space<vmem>>[vector<16xi32>, vector<16xi32>], vector<16xf32>,
      %mul3A_596 = arith.mulf %gather3A_594, %gather3A_595 : vector<16xf32>
      %add3A_597 = arith.addf %add3A_591, %mul3A_596 : vector<16xf32>
      %broadcast_in_dim3A_598 = arith.constant 45 : i32
      %broadcast_in_dim3A_599 = vector.broadcast %broadcast_in_dim3A_598 : i32 to vector<16xi32>
      %gather3A_600 = tpu.vector_load_idx %arg11[%add3A_321, %broadcast_in_dim3A_599] : memref<512x64xf32, #tpu.memory_space<vmem>>[vector<16xi32>, vector<16xi32>], vector<16xf32>,
      %gather3A_601 = tpu.vector_load_idx %arg12[%add3A_321, %broadcast_in_dim3A_599] : memref<512x64xf32, #tpu.memory_space<vmem>>[vector<16xi32>, vector<16xi32>], vector<16xf32>,
      %mul3A_602 = arith.mulf %gather3A_600, %gather3A_601 : vector<16xf32>
      %add3A_603 = arith.addf %add3A_597, %mul3A_602 : vector<16xf32>
      %broadcast_in_dim3A_604 = arith.constant 46 : i32
      %broadcast_in_dim3A_605 = vector.broadcast %broadcast_in_dim3A_604 : i32 to vector<16xi32>
      %gather3A_606 = tpu.vector_load_idx %arg11[%add3A_321, %broadcast_in_dim3A_605] : memref<512x64xf32, #tpu.memory_space<vmem>>[vector<16xi32>, vector<16xi32>], vector<16xf32>,
      %gather3A_607 = tpu.vector_load_idx %arg12[%add3A_321, %broadcast_in_dim3A_605] : memref<512x64xf32, #tpu.memory_space<vmem>>[vector<16xi32>, vector<16xi32>], vector<16xf32>,
      %mul3A_608 = arith.mulf %gather3A_606, %gather3A_607 : vector<16xf32>
      %add3A_609 = arith.addf %add3A_603, %mul3A_608 : vector<16xf32>
      %broadcast_in_dim3A_610 = arith.constant 47 : i32
      %broadcast_in_dim3A_611 = vector.broadcast %broadcast_in_dim3A_610 : i32 to vector<16xi32>
      %gather3A_612 = tpu.vector_load_idx %arg11[%add3A_321, %broadcast_in_dim3A_611] : memref<512x64xf32, #tpu.memory_space<vmem>>[vector<16xi32>, vector<16xi32>], vector<16xf32>,
      %gather3A_613 = tpu.vector_load_idx %arg12[%add3A_321, %broadcast_in_dim3A_611] : memref<512x64xf32, #tpu.memory_space<vmem>>[vector<16xi32>, vector<16xi32>], vector<16xf32>,
      %mul3A_614 = arith.mulf %gather3A_612, %gather3A_613 : vector<16xf32>
      %add3A_615 = arith.addf %add3A_609, %mul3A_614 : vector<16xf32>
      %broadcast_in_dim3A_616 = arith.constant 48 : i32
      %broadcast_in_dim3A_617 = vector.broadcast %broadcast_in_dim3A_616 : i32 to vector<16xi32>
      %gather3A_618 = tpu.vector_load_idx %arg11[%add3A_321, %broadcast_in_dim3A_617] : memref<512x64xf32, #tpu.memory_space<vmem>>[vector<16xi32>, vector<16xi32>], vector<16xf32>,
      %gather3A_619 = tpu.vector_load_idx %arg12[%add3A_321, %broadcast_in_dim3A_617] : memref<512x64xf32, #tpu.memory_space<vmem>>[vector<16xi32>, vector<16xi32>], vector<16xf32>,
      %mul3A_620 = arith.mulf %gather3A_618, %gather3A_619 : vector<16xf32>
      %add3A_621 = arith.addf %add3A_615, %mul3A_620 : vector<16xf32>
      %broadcast_in_dim3A_622 = arith.constant 49 : i32
      %broadcast_in_dim3A_623 = vector.broadcast %broadcast_in_dim3A_622 : i32 to vector<16xi32>
      %gather3A_624 = tpu.vector_load_idx %arg11[%add3A_321, %broadcast_in_dim3A_623] : memref<512x64xf32, #tpu.memory_space<vmem>>[vector<16xi32>, vector<16xi32>], vector<16xf32>,
      %gather3A_625 = tpu.vector_load_idx %arg12[%add3A_321, %broadcast_in_dim3A_623] : memref<512x64xf32, #tpu.memory_space<vmem>>[vector<16xi32>, vector<16xi32>], vector<16xf32>,
      %mul3A_626 = arith.mulf %gather3A_624, %gather3A_625 : vector<16xf32>
      %add3A_627 = arith.addf %add3A_621, %mul3A_626 : vector<16xf32>
      %broadcast_in_dim3A_628 = arith.constant 50 : i32
      %broadcast_in_dim3A_629 = vector.broadcast %broadcast_in_dim3A_628 : i32 to vector<16xi32>
      %gather3A_630 = tpu.vector_load_idx %arg11[%add3A_321, %broadcast_in_dim3A_629] : memref<512x64xf32, #tpu.memory_space<vmem>>[vector<16xi32>, vector<16xi32>], vector<16xf32>,
      %gather3A_631 = tpu.vector_load_idx %arg12[%add3A_321, %broadcast_in_dim3A_629] : memref<512x64xf32, #tpu.memory_space<vmem>>[vector<16xi32>, vector<16xi32>], vector<16xf32>,
      %mul3A_632 = arith.mulf %gather3A_630, %gather3A_631 : vector<16xf32>
      %add3A_633 = arith.addf %add3A_627, %mul3A_632 : vector<16xf32>
      %broadcast_in_dim3A_634 = arith.constant 51 : i32
      %broadcast_in_dim3A_635 = vector.broadcast %broadcast_in_dim3A_634 : i32 to vector<16xi32>
      %gather3A_636 = tpu.vector_load_idx %arg11[%add3A_321, %broadcast_in_dim3A_635] : memref<512x64xf32, #tpu.memory_space<vmem>>[vector<16xi32>, vector<16xi32>], vector<16xf32>,
      %gather3A_637 = tpu.vector_load_idx %arg12[%add3A_321, %broadcast_in_dim3A_635] : memref<512x64xf32, #tpu.memory_space<vmem>>[vector<16xi32>, vector<16xi32>], vector<16xf32>,
      %mul3A_638 = arith.mulf %gather3A_636, %gather3A_637 : vector<16xf32>
      %add3A_639 = arith.addf %add3A_633, %mul3A_638 : vector<16xf32>
      %broadcast_in_dim3A_640 = arith.constant 52 : i32
      %broadcast_in_dim3A_641 = vector.broadcast %broadcast_in_dim3A_640 : i32 to vector<16xi32>
      %gather3A_642 = tpu.vector_load_idx %arg11[%add3A_321, %broadcast_in_dim3A_641] : memref<512x64xf32, #tpu.memory_space<vmem>>[vector<16xi32>, vector<16xi32>], vector<16xf32>,
      %gather3A_643 = tpu.vector_load_idx %arg12[%add3A_321, %broadcast_in_dim3A_641] : memref<512x64xf32, #tpu.memory_space<vmem>>[vector<16xi32>, vector<16xi32>], vector<16xf32>,
      %mul3A_644 = arith.mulf %gather3A_642, %gather3A_643 : vector<16xf32>
      %add3A_645 = arith.addf %add3A_639, %mul3A_644 : vector<16xf32>
      %broadcast_in_dim3A_646 = arith.constant 53 : i32
      %broadcast_in_dim3A_647 = vector.broadcast %broadcast_in_dim3A_646 : i32 to vector<16xi32>
      %gather3A_648 = tpu.vector_load_idx %arg11[%add3A_321, %broadcast_in_dim3A_647] : memref<512x64xf32, #tpu.memory_space<vmem>>[vector<16xi32>, vector<16xi32>], vector<16xf32>,
      %gather3A_649 = tpu.vector_load_idx %arg12[%add3A_321, %broadcast_in_dim3A_647] : memref<512x64xf32, #tpu.memory_space<vmem>>[vector<16xi32>, vector<16xi32>], vector<16xf32>,
      %mul3A_650 = arith.mulf %gather3A_648, %gather3A_649 : vector<16xf32>
      %add3A_651 = arith.addf %add3A_645, %mul3A_650 : vector<16xf32>
      %broadcast_in_dim3A_652 = arith.constant 54 : i32
      %broadcast_in_dim3A_653 = vector.broadcast %broadcast_in_dim3A_652 : i32 to vector<16xi32>
      %gather3A_654 = tpu.vector_load_idx %arg11[%add3A_321, %broadcast_in_dim3A_653] : memref<512x64xf32, #tpu.memory_space<vmem>>[vector<16xi32>, vector<16xi32>], vector<16xf32>,
      %gather3A_655 = tpu.vector_load_idx %arg12[%add3A_321, %broadcast_in_dim3A_653] : memref<512x64xf32, #tpu.memory_space<vmem>>[vector<16xi32>, vector<16xi32>], vector<16xf32>,
      %mul3A_656 = arith.mulf %gather3A_654, %gather3A_655 : vector<16xf32>
      %add3A_657 = arith.addf %add3A_651, %mul3A_656 : vector<16xf32>
      %broadcast_in_dim3A_658 = arith.constant 55 : i32
      %broadcast_in_dim3A_659 = vector.broadcast %broadcast_in_dim3A_658 : i32 to vector<16xi32>
      %gather3A_660 = tpu.vector_load_idx %arg11[%add3A_321, %broadcast_in_dim3A_659] : memref<512x64xf32, #tpu.memory_space<vmem>>[vector<16xi32>, vector<16xi32>], vector<16xf32>,
      %gather3A_661 = tpu.vector_load_idx %arg12[%add3A_321, %broadcast_in_dim3A_659] : memref<512x64xf32, #tpu.memory_space<vmem>>[vector<16xi32>, vector<16xi32>], vector<16xf32>,
      %mul3A_662 = arith.mulf %gather3A_660, %gather3A_661 : vector<16xf32>
      %add3A_663 = arith.addf %add3A_657, %mul3A_662 : vector<16xf32>
      %broadcast_in_dim3A_664 = arith.constant 56 : i32
      %broadcast_in_dim3A_665 = vector.broadcast %broadcast_in_dim3A_664 : i32 to vector<16xi32>
      %gather3A_666 = tpu.vector_load_idx %arg11[%add3A_321, %broadcast_in_dim3A_665] : memref<512x64xf32, #tpu.memory_space<vmem>>[vector<16xi32>, vector<16xi32>], vector<16xf32>,
      %gather3A_667 = tpu.vector_load_idx %arg12[%add3A_321, %broadcast_in_dim3A_665] : memref<512x64xf32, #tpu.memory_space<vmem>>[vector<16xi32>, vector<16xi32>], vector<16xf32>,
      %mul3A_668 = arith.mulf %gather3A_666, %gather3A_667 : vector<16xf32>
      %add3A_669 = arith.addf %add3A_663, %mul3A_668 : vector<16xf32>
      %broadcast_in_dim3A_670 = arith.constant 57 : i32
      %broadcast_in_dim3A_671 = vector.broadcast %broadcast_in_dim3A_670 : i32 to vector<16xi32>
      %gather3A_672 = tpu.vector_load_idx %arg11[%add3A_321, %broadcast_in_dim3A_671] : memref<512x64xf32, #tpu.memory_space<vmem>>[vector<16xi32>, vector<16xi32>], vector<16xf32>,
      %gather3A_673 = tpu.vector_load_idx %arg12[%add3A_321, %broadcast_in_dim3A_671] : memref<512x64xf32, #tpu.memory_space<vmem>>[vector<16xi32>, vector<16xi32>], vector<16xf32>,
      %mul3A_674 = arith.mulf %gather3A_672, %gather3A_673 : vector<16xf32>
      %add3A_675 = arith.addf %add3A_669, %mul3A_674 : vector<16xf32>
      %broadcast_in_dim3A_676 = arith.constant 58 : i32
      %broadcast_in_dim3A_677 = vector.broadcast %broadcast_in_dim3A_676 : i32 to vector<16xi32>
      %gather3A_678 = tpu.vector_load_idx %arg11[%add3A_321, %broadcast_in_dim3A_677] : memref<512x64xf32, #tpu.memory_space<vmem>>[vector<16xi32>, vector<16xi32>], vector<16xf32>,
      %gather3A_679 = tpu.vector_load_idx %arg12[%add3A_321, %broadcast_in_dim3A_677] : memref<512x64xf32, #tpu.memory_space<vmem>>[vector<16xi32>, vector<16xi32>], vector<16xf32>,
      %mul3A_680 = arith.mulf %gather3A_678, %gather3A_679 : vector<16xf32>
      %add3A_681 = arith.addf %add3A_675, %mul3A_680 : vector<16xf32>
      %broadcast_in_dim3A_682 = arith.constant 59 : i32
      %broadcast_in_dim3A_683 = vector.broadcast %broadcast_in_dim3A_682 : i32 to vector<16xi32>
      %gather3A_684 = tpu.vector_load_idx %arg11[%add3A_321, %broadcast_in_dim3A_683] : memref<512x64xf32, #tpu.memory_space<vmem>>[vector<16xi32>, vector<16xi32>], vector<16xf32>,
      %gather3A_685 = tpu.vector_load_idx %arg12[%add3A_321, %broadcast_in_dim3A_683] : memref<512x64xf32, #tpu.memory_space<vmem>>[vector<16xi32>, vector<16xi32>], vector<16xf32>,
      %mul3A_686 = arith.mulf %gather3A_684, %gather3A_685 : vector<16xf32>
      %add3A_687 = arith.addf %add3A_681, %mul3A_686 : vector<16xf32>
      %broadcast_in_dim3A_688 = arith.constant 60 : i32
      %broadcast_in_dim3A_689 = vector.broadcast %broadcast_in_dim3A_688 : i32 to vector<16xi32>
      %gather3A_690 = tpu.vector_load_idx %arg11[%add3A_321, %broadcast_in_dim3A_689] : memref<512x64xf32, #tpu.memory_space<vmem>>[vector<16xi32>, vector<16xi32>], vector<16xf32>,
      %gather3A_691 = tpu.vector_load_idx %arg12[%add3A_321, %broadcast_in_dim3A_689] : memref<512x64xf32, #tpu.memory_space<vmem>>[vector<16xi32>, vector<16xi32>], vector<16xf32>,
      %mul3A_692 = arith.mulf %gather3A_690, %gather3A_691 : vector<16xf32>
      %add3A_693 = arith.addf %add3A_687, %mul3A_692 : vector<16xf32>
      %broadcast_in_dim3A_694 = arith.constant 61 : i32
      %broadcast_in_dim3A_695 = vector.broadcast %broadcast_in_dim3A_694 : i32 to vector<16xi32>
      %gather3A_696 = tpu.vector_load_idx %arg11[%add3A_321, %broadcast_in_dim3A_695] : memref<512x64xf32, #tpu.memory_space<vmem>>[vector<16xi32>, vector<16xi32>], vector<16xf32>,
      %gather3A_697 = tpu.vector_load_idx %arg12[%add3A_321, %broadcast_in_dim3A_695] : memref<512x64xf32, #tpu.memory_space<vmem>>[vector<16xi32>, vector<16xi32>], vector<16xf32>,
      %mul3A_698 = arith.mulf %gather3A_696, %gather3A_697 : vector<16xf32>
      %add3A_699 = arith.addf %add3A_693, %mul3A_698 : vector<16xf32>
      %broadcast_in_dim3A_700 = arith.constant 62 : i32
      %broadcast_in_dim3A_701 = vector.broadcast %broadcast_in_dim3A_700 : i32 to vector<16xi32>
      %gather3A_702 = tpu.vector_load_idx %arg11[%add3A_321, %broadcast_in_dim3A_701] : memref<512x64xf32, #tpu.memory_space<vmem>>[vector<16xi32>, vector<16xi32>], vector<16xf32>,
      %gather3A_703 = tpu.vector_load_idx %arg12[%add3A_321, %broadcast_in_dim3A_701] : memref<512x64xf32, #tpu.memory_space<vmem>>[vector<16xi32>, vector<16xi32>], vector<16xf32>,
      %mul3A_704 = arith.mulf %gather3A_702, %gather3A_703 : vector<16xf32>
      %add3A_705 = arith.addf %add3A_699, %mul3A_704 : vector<16xf32>
      %broadcast_in_dim3A_706 = arith.constant 63 : i32
      %broadcast_in_dim3A_707 = vector.broadcast %broadcast_in_dim3A_706 : i32 to vector<16xi32>
      %gather3A_708 = tpu.vector_load_idx %arg11[%add3A_321, %broadcast_in_dim3A_707] : memref<512x64xf32, #tpu.memory_space<vmem>>[vector<16xi32>, vector<16xi32>], vector<16xf32>,
      %gather3A_709 = tpu.vector_load_idx %arg12[%add3A_321, %broadcast_in_dim3A_707] : memref<512x64xf32, #tpu.memory_space<vmem>>[vector<16xi32>, vector<16xi32>], vector<16xf32>,
      %mul3A_710 = arith.mulf %gather3A_708, %gather3A_709 : vector<16xf32>
      %add3A_711 = arith.addf %add3A_705, %mul3A_710 : vector<16xf32>
      %mul3A_712 = arith.constant 16 : i32
      %mul3A_713 = arith.muli %scan3A_317, %mul3A_712 : i32
      %swap3A = arith.index_cast %mul3A_713 : i32 to index
      %swap3A_714 = tpu.vector_load %arg15[%swap3A] {strides = array<i32>} : memref<512xf32, #tpu.memory_space<vmem>>, vector<16xf32>,
      tpu.vector_store %arg15[%swap3A], %add3A_711 {strides = array<i32>} : memref<512xf32, #tpu.memory_space<vmem>>, vector<16xf32>,
    }
    %scan3A_316 = arith.constant 32 : i32
    "tpu.region"() ({
      %run_scoped3A_317 = tpu.sem_alloc : memref<!tpu.dma_semaphore, #tpu.memory_space<semaphore_mem>>
      %dma_start3A_318 = tpu.memref_slice %arg8[%mul3A_2] : memref<16384xf32, #tpu.memory_space<hbm>> -> memref<512xf32, #tpu.memory_space<hbm>>
      %dma_start3A_319 = tpu.memref_slice %arg8[%mul3A_2] : memref<16384xf32, #tpu.memory_space<hbm>> -> memref<512xf32, #tpu.memory_space<hbm>>
      tpu.enqueue_dma source(%arg15 : memref<512xf32, #tpu.memory_space<vmem>>) target(%dma_start3A_319 : memref<512xf32, #tpu.memory_space<hbm>>) target_semaphore(%run_scoped3A_317 : memref<!tpu.dma_semaphore, #tpu.memory_space<semaphore_mem>>)
      %dma_wait3A_320 = tpu.memref_slice %arg8[%mul3A_2] : memref<16384xf32, #tpu.memory_space<hbm>> -> memref<512xf32, #tpu.memory_space<hbm>>
      %dma_wait3A_321 = tpu.memref_slice %arg8[%mul3A_2] : memref<16384xf32, #tpu.memory_space<hbm>> -> memref<512xf32, #tpu.memory_space<hbm>>
      tpu.wait_dma2 semaphore(%run_scoped3A_317 : memref<!tpu.dma_semaphore, #tpu.memory_space<semaphore_mem>>) src(%arg15 : memref<512xf32, #tpu.memory_space<vmem>>) dst(%dma_wait3A_321 : memref<512xf32, #tpu.memory_space<hbm>>)
      tpu.yield
    }) : () -> ()
    return
  }
}

</mosaic_0001>

<sc_bundles>
// kernel: _mf.3.cloned.1.call-start
scs
__scs_entry_jumppad:
0x0: {  	(pc) =	sbr.rel $0x88, $3  }
0x1: {  	(tag) =	ssettag $0x0;
	lr =	simm.s32 $0x1  }
0x2: {  	[smem:$0x3F9B] =	sst lr;
	_ =	strace $0xD0000000  }
0x3: {  	_ = 	snop  }
0x4: {  	_ = 	snop  }
0x5: {  	_ = 	snop  }
0x6: {  	_ = 	snop  }
0x7: {  	_ = 	snop  }
__scs_overlays_trampoline_lowered:
0x8: {  	[smem:$0x3FAA] =	sst s0  }
0x9: {  	[smem:$0x3FAB] =	sst s1  }
0xa: {  	[smem:$0x3FAC] =	sst s2  }
0xb: {  	[smem:$0x3FAD] =	sst s3  }
0xc: {  	[smem:$0x3FAE] =	sst s4  }
0xd: {  	[smem:$0x3FAF] =	sst s5  }
0xe: {  	[smem:$0x3FB0] =	sst s6  }
0xf: {  	[smem:$0x3FB1] =	sst s7  }
0x10: {  	[smem:$0x3FB2] =	sst s8  }
0x11: {  	[smem:$0x3FB3] =	sst s9;
	s0 =	simm.s32 @!p0 $0x0  }
0x12: {  	s1 =	sld [smem:$0x3F99];
	s0 =	simm.s32 @p0 $0x1  }
0x13: {  	[smem:$0x3FB4] =	sst s0;
	s0 =	simm.s32 @!p1 $0x0  }
0x14: {  	s2 =	sld [smem:$0x3F98];
	s0 =	simm.s32 @p1 $0x1  }
0x15: {  	[smem:$0x3FB5] =	sst s0;
	s0 =	simm.s32 @!p2 $0x0  }
0x16: {  	s3 =	sld [smem:$0x3FDB];
	s0 =	simm.s32 @p2 $0x1  }
0x17: {  	s4 =	simm.s32 $0x1BF5;
	[smem:$0x3FB7] =	sst s0  }
0x18: {  	s0 =	sld [smem:$0x3F9A];
	_ =	swait.ge [sflag:s4], $0x0  }
0x19: {  	s7 =	sld [smem:$0x3F9B]  }
0x1a: {  	s8 =	sadd.s32 $0xFFFFE003, lr  }
0x1b: {  	s9 =	sadd.s32 $0xFFFFFEF7, lr;
	s5 =	simm.s32 $0xFFFFFFFF;
	p2 =	slt.u32 s8, $0xFFFFF086  }
0x1c: {  	p1 =	slt.u32 s9, $0xF7A;
	s5 =	simm.s32 @!p2 $0x0  }
0x1d: {  	s5 =	simm.s32 @p1 $0x1;
	p0 =	seq.s32 s7, s2  }
0x1e: {  	s7 =	smul.u32 @!p0 $0xF7A, s2;
	p2 =	seq.s32 @!p0 s5, $0x0  }
0x1f: {  	s9 =	smul.u32 $0xF7A, s1;
	s8 =	simm.s32 @!p0 $0x1BF5;
	p2 =	por !p2, p0  }
0x20: {  	[sflag:s8] =	ssyncset.s32 @!p0 $0xFFFFF086;
	s6 =	sadd.s32 @!p0 s3, s7;
	s7 =	simm.s32 @!p0 $0x108  }
0x21: {  	s3 =	sadd.s32 s3, s9;
	s6 =	sadd.s32 @!p0 $0x88, s6;
	s7 =	simm.s32 @p2 $0x1082  }
0x22: {  	[simem:s7], [sflag:s8] =	dma.local @!p0 [hbm:s6], $0xF7A  }
0x23: {  	s9 =	sor.u32 $0xD0000000, s2;
	s6 =	simm.s32 $0x108;
	_ =	swait.ge @!p0 [sflag:s8], $0x0  }
0x24: {  	s3 =	sadd.s32 $0x88, s3;
	s6 =	simm.s32 @!p1 $0x1082;
	[sflag:s4] =	ssyncset.s32 $0xFFFFF086  }
0x25: {  	[simem:s6], [sflag:s4] =	dma.local [hbm:s3], $0xF7A  }
0x26: {  	[smem:$0x3F9B] =	sst s1;
	(tag) =	ssettag s2;
	_ =	strace s9  }
0x27: {  	s1 =	sld [smem:$0x3FAB]  }
0x28: {  	s2 =	sld [smem:$0x3FAC]  }
0x29: {  	s4 =	sld [smem:$0x3FAE]  }
0x2a: {  	p0 =	seq.s32 s5, $0x0;
	s5 =	sld [smem:$0x3FAF]  }
0x2b: {  	s6 =	sld [smem:$0x3FB0]  }
0x2c: {  	s7 =	sld [smem:$0x3FB1]  }
0x2d: {  	s3 =	simm.s32 $0x108;
	s8 =	sld [smem:$0x3FB2]  }
0x2e: {  	s3 =	simm.s32 @!p0 $0x1082;
	s9 =	sld [smem:$0x3FB3]  }
0x2f: {  	lr =	sadd.s32 s0, s3;
	s0 =	sld [smem:$0x3FAA]  }
0x30: {  	s3 =	sld [smem:$0x3FAD]  }
0x31: {  	[smem:$0x3FB6] =	sst s10  }
0x32: {  	s10 =	sld [smem:$0x3FB4];
	_ =	sdelay $0x3  }
0x33: {  	p0 =	seq.s32 s10, $0x1;
	s10 =	sld [smem:$0x3FB6];
	_ =	sdelay $0x3  }
0x34: {  	[smem:$0x3FB6] =	sst s10  }
0x35: {  	s10 =	sld [smem:$0x3FB5];
	_ =	sdelay $0x3  }
0x36: {  	p1 =	seq.s32 s10, $0x1;
	s10 =	sld [smem:$0x3FB6];
	_ =	sdelay $0x3  }
0x37: {  	[smem:$0x3FB6] =	sst s10  }
0x38: {  	s10 =	sld [smem:$0x3FB7]  }
0x39: {  	_ = 	snop;
	(pc) =	sbr.ind lr, $3  }
0x3a: {  	_ = 	snop  }
0x3b: {  	_ = 	snop  }
0x3c: {  	p2 =	seq.s32 s10, $0x1;
	s10 =	sld [smem:$0x3FB6]  }
0x3d: {  	_ =	shalt  }
0x3e: {  	_ =	shalt  }
0x3f: {  	_ =	shalt  }
0x40: {  	_ =	shalt  }
0x41: {  	_ =	shalt  }
0x42: {  	_ =	shalt  }
0x43: {  	_ =	shalt  }
0x44: {  	_ =	shalt  }
0x45: {  	_ =	shalt  }
0x46: {  	_ =	shalt  }
0x47: {  	_ =	shalt  }
0x48: {  	_ =	shalt  }
0x49: {  	_ =	shalt  }
0x4a: {  	_ =	shalt  }
0x4b: {  	_ =	shalt  }
0x4c: {  	_ =	shalt  }
0x4d: {  	_ =	shalt  }
0x4e: {  	_ =	shalt  }
0x4f: {  	_ =	shalt  }
0x50: {  	_ =	shalt  }
0x51: {  	_ =	shalt  }
0x52: {  	_ =	shalt  }
0x53: {  	_ =	shalt  }
0x54: {  	_ =	shalt  }
0x55: {  	_ =	shalt  }
0x56: {  	_ =	shalt  }
0x57: {  	_ =	shalt  }
0x58: {  	_ =	shalt  }
0x59: {  	_ =	shalt  }
0x5a: {  	_ =	shalt  }
0x5b: {  	_ =	shalt  }
0x5c: {  	_ =	shalt  }
0x5d: {  	_ =	shalt  }
0x5e: {  	_ =	shalt  }
0x5f: {  	_ =	shalt  }
0x60: {  	_ =	shalt  }
0x61: {  	_ =	shalt  }
0x62: {  	_ =	shalt  }
0x63: {  	_ =	shalt  }
0x64: {  	_ =	shalt  }
0x65: {  	_ =	shalt  }
0x66: {  	_ =	shalt  }
0x67: {  	_ =	shalt  }
0x68: {  	_ =	shalt  }
0x69: {  	_ =	shalt  }
0x6a: {  	_ =	shalt  }
0x6b: {  	_ =	shalt  }
0x6c: {  	_ =	shalt  }
0x6d: {  	_ =	shalt  }
0x6e: {  	_ =	shalt  }
0x6f: {  	_ =	shalt  }
0x70: {  	_ =	shalt  }
0x71: {  	_ =	shalt  }
0x72: {  	_ =	shalt  }
0x73: {  	_ =	shalt  }
0x74: {  	_ =	shalt  }
0x75: {  	_ =	shalt  }
0x76: {  	_ =	shalt  }
0x77: {  	_ =	shalt  }
0x78: {  	_ =	shalt  }
0x79: {  	_ =	shalt  }
0x7a: {  	_ =	shalt  }
0x7b: {  	_ =	shalt  }
0x7c: {  	_ =	shalt  }
0x7d: {  	_ =	shalt  }
0x7e: {  	_ =	shalt  }
0x7f: {  	_ =	shalt  }
0x80: {  	_ =	shalt  }
0x81: {  	_ =	shalt  }
0x82: {  	_ =	shalt  }
0x83: {  	_ =	shalt  }
0x84: {  	_ =	shalt  }
0x85: {  	_ =	shalt  }
0x86: {  	_ =	shalt  }
0x87: {  	_ =	shalt  }
.Lfunc_end0:
.L_simem_size_0:
called_computation_lowered:
.L_overlay_start_0:
0x88: {  	s2 =	sld [smem:$0x3FD9]  }
0x89: {  	s3 =	sld [smem:$0x3FFE];
	_ =	sdelay $0x1  }
0x8a: {  	s1 =	srdreg.scid  }
0x8b: {  	s0 =	sand.u32 $0x1, s1  }
0x8c: {  	s17 =	sshll.u32 s0, $0xA;
	s2 =	sadd.s32 s3, s2  }
0x8d: {  	s2 =	sadd.s32 s2, s17  }
0x8e: {  	[smem:$0x3FC2] =	sst s2  }
0x8f: {  	_ = 	snop  }
0x90: {  	s2 =	sld [smem:$0x3FC7]  }
0x91: {  	s18 =	sld [smem:$0x3FC6]  }
0x92: {  	s4 =	sld [smem:$0x3FC5]  }
0x93: {  	s5 =	sld [smem:$0x3FC4]  }
0x94: {  	s6 =	sld [smem:$0x3FD0];
	(tm) =	ssettm $0x1  }
0x95: {  	s7 =	sld [smem:$0x3FFB];
	_ =	sdelay $0x3  }
0x96: {  	_ =	strace s7  }
0x97: {  	s7 =	sld [smem:$0x3FFC];
	_ =	sdelay $0x3  }
0x98: {  	_ =	strace s7  }
0x99: {  	s7 =	sld [smem:$0x3FFD];
	_ =	sdelay $0x3  }
0x9a: {  	_ =	strace s7  }
0x9b: {  	_ =	strace $0x8FFFFFFF  }
0x9c: {  	s19 =	sld [smem:$0x3FDB];
	_ =	sdelay $0x1  }
0x9d: {  	s8 =	simm.s32 $_scs_section_size  }
0x9e: {  	s9 =	simm.s32 $_size__tile_overlayer_lowered;
	s10 =	simm.s32 $_tile_overlayer_lowered  }
0x9f: {  	s22 =	simm.s32 $0x1BFF;
	s21 =	sshll.u32 s10, $0x1;
	s7 =	sadd.s32 s8, s19  }
0xa0: {  	s11 =	simm.s32 $0x0;
	s20 =	sshll.u32 s9, $0x1;
	s9 =	sadd.s32 s21, s7  }
0xa1: {  	[timem:s11], [sflag:s22] =	dma.local [hbm:s9], s20  }
0xa2: {  	_ =	swait.ge [sflag:s22], s20  }
0xa3: {  	s8 =	ssub.s32 $0x0, s20;
	[sflag:s22] =	ssyncset.done $0x0  }
0xa4: {  	[sflag:s22] =	ssyncadd.s32 s8;
	_ =	sdelay $0x1  }
0xa5: {  	s23 =	simm.s32 $0x1B8B  }
0xa6: {  	_ =	swait.ge [sflag:s23], $0x1  }
0xa7: {  	[sflag:s23] =	ssyncset.done $0x0  }
0xa8: {  	s25 =	simm.s32 $0x1B8E;
	s24 =	sld [smem:$0x3FFE];
	[sflag:s23] =	ssyncadd.s32 $0xFFFFFFFF  }
0xa9: {  	s26 =	simm.s32 $execute0_lowered;
	[smem:$0x3FD2] =	sst s25  }
0xaa: {  	s9 =	sshll.u32 s26, $0x1;
	_ =	strace $0x80000046;
	[dreg:$0x1] =	wrdreg $0xFFFFFFFF  }
0xab: {  	s28 =	simm.s32 $_size_execute0_lowered;
	s7 =	sadd.s32 s7, s9;
	[dreg:$0x0] =	wrdreg $0x0  }
0xac: {  	s9 =	sshll.u32 s28, $0x1;
	[dreg:$0x2] =	wrdreg s7  }
0xad: {  	[dreg:$0x3] =	wrdreg s9  }
0xae: {  	[dreg:$0x4] =	wrdreg $0xC0  }
0xaf: {  	_ =	task [dreg:s11], $0x5FFFF  }
0xb0: {  	[dreg:$0x1] =	wrdreg $0xFFFFFFFF  }
0xb1: {  	[dreg:$0x0] =	wrdreg $0x60  }
0xb2: {  	[dreg:$0x2] =	wrdreg s24  }
0xb3: {  	[dreg:$0x3] =	wrdreg s2  }
0xb4: {  	[dreg:$0x4] =	wrdreg s18  }
0xb5: {  	[dreg:$0x5] =	wrdreg s4  }
0xb6: {  	[dreg:$0x6] =	wrdreg s5  }
0xb7: {  	[dreg:$0x7] =	wrdreg s6  }
0xb8: {  	[dreg:$0x8] =	wrdreg $0x9  }
0xb9: {  	_ =	task.clear_ibuf [dreg:s11], $0x9FFFF;
	_ =	strace $0x90000046  }
0xba: {  	s29 =	simm.s32 $0x9;
	_ =	strace $0x80000048  }
0xbb: {  	_ =	swait.ge [sflag:s29], $0x1  }
0xbc: {  	[sflag:s29] =	ssyncadd.s32 $0xFFFFFFFF  }
0xbd: {  	_ =	strace $0x90000048  }
0xbe: {  	_ =	sfence  }
0xbf: {  	s30 =	sld [smem:$0x0];
	_ =	sdelay $0x2  }
0xc0: {  	s31 =	sshll.u32 s1, $0xD;
	s1 =	sshrl.u32 s1, $0x2  }
0xc1: {  	s3 =	sand.u32 $0x4000, s31;
	s1 =	sadd.s32 s1, s30  }
0xc2: {  	s0 =	sor.u32 s3, s0;
	s1 =	sshll.u32 s1, $0x11  }
0xc3: {  	s0 =	sor.u32 s1, s0  }
0xc4: {  	s0 =	sadd.s32 $0x8F2B, s0  }
0xc5: {  	[sflag:s0] =	ssyncadd.remote.s32 $0x1  }
0xc6: {  	_ =	sfence.sel $0xFFFF  }
0xc7: {  	[dreg:$0x0] =	wrdreg $0xFFFFFFFF;
	(pc) =	sbr.abs _section_cstart, $3  }
0xc8: {  	[dreg:$0x1] =	wrdreg $0xFFFFFFFF  }
0xc9: {  	_ =	task.clear_ibuf [dreg:s11], $0x2FFFF;
	_ =	strace $0x9FFFFFFF  }
0xca: {  	(tm) =	ssettm $0x7FFFFFFF  }
0xcb: {  	_ =	shalt  }
tec
execute0_lowered:
.L_overlay_start_1:
0x0: {  	(tag) =	ssettag $0x1  }
0x1: {  	s0 =	rddreg [dreg:$0x0]  }
0x2: {  	s1 =	rddreg [dreg:$0x1]  }
0x3: {  	s2 =	rddreg [dreg:$0x2]  }
0x4: {  	s4 =	rddreg [dreg:$0x3]  }
0x5: {  	s7 =	rddreg [dreg:$0x4]  }
0x6: {  	s8 =	rddreg [dreg:$0x5];
	s3 =	simm.s32 $0x0;
	s6 =	srdreg.scid  }
0x7: {  	s10 =	stileid.u32;
	s17 =	simm.s32 $0x5;
	s18 =	simm.s32 $0x200  }
0x8: {  	s19 =	simm.s32 $0x80;
	s20 =	simm.s32 $0x280;
	s21 =	simm.s32 $0x100  }
0x9: {  	s28 =	simm.s32 $0x1;
	s29 =	simm.s32 $0x2;
	s30 =	simm.s32 $0x3  }
0xa: {  	s31 =	simm.s32 $0x4;
	[smem:$0x7FF] =	sst s3;
	s6 =	sand.u32 $0x1, s6  }
0xb: {  	s5 =	sadd.s32 $0xF42800, s0;
	s10 =	sshll.u32 s10, $0x7;
	s9 =	ssub.s32 $0x2, s6  }
0xc: {  	_ =	strace $0x80000047;
	s11 =	sshll.u32 s6, $0x6;
	s22 =	sshrl.u32 s9, $0x1  }
0xd: {  	s6 =	sadd.s32 $0x16E3A00, s0;
	s10 =	sor.u32 s11, s10;
	s0 =	ssub.s32 s9, s22  }
0xe: {  	s23 =	sadd.s32 s7, s10;
	s24 =	sor.u32 $0x10, s10;
	s11 =	sadd.s32 s4, s10  }
0xf: {  	s12 =	sor.u32 $0x20, s10;
	s26 =	sor.u32 $0x30, s10;
	[dreg:$0x7] =	wrdreg s23  }
0x10: {  	s15 =	sadd.s32 s8, s10;
	s22 =	simm.s32 $0x300;
	[dreg:$0x8] =	wrdreg s11  }
0x11: {  	s25 =	sadd.s32 s7, s24;
	s9 =	sadd.s32 s4, s24;
	s11 =	sadd.s32 s7, s12  }
0x12: {  	s12 =	sadd.s32 s4, s12;
	s13 =	sadd.s32 s7, s26;
	s14 =	sadd.s32 s4, s26  }
0x13: {  	s16 =	smax.u32 s0, $0x1;
	s23 =	simm.s32 $0x180;
	s24 =	simm.s32 $0x380  }
0x14: {  	v0 =	vlaneseq.u32;
	s26 =	simm.s32 $0x8400;
	s0 =	simm.s32 $0x10800;
	[dreg:$0x9] =	wrdreg s25  }
0x15: {  	v0 =	vmul.u32 $0x40, v0;
	s4 =	simm.s32 $0x0;
	[dreg:$0xa] =	wrdreg s9;
	s25 =	simm.s32 $0x400  }
.LBB2_1:
0x16: {  	s7 =	rddreg [dreg:$0x7]  }
0x17: {  	[tilespmem:s3], [sflag:$0x5] =	stream.linear.gather [hbm4b:s7+s3], $0x80, $0x38;
	[tilespmem:$0x10A00] =	vst v63  }
0x18: {  	_ =	swait.ge [sflag:s17], $0x80  }
0x19: {  	[sflag:s17] =	ssyncset.done $0x0  }
0x1a: {  	s10 =	rddreg [dreg:$0x8];
	[sflag:s17] =	ssyncadd.s32 $0xFFFFFF80  }
0x1b: {  	[tilespmem:s18], [sflag:$0x5] =	stream.linear.gather [hbm4b:s10+s3], $0x80, $0x38;
	[tilespmem:$0x10A00] =	vst v63  }
0x1c: {  	_ =	swait.ge [sflag:s17], $0x80  }
0x1d: {  	[sflag:s17] =	ssyncset.done $0x0  }
0x1e: {  	s8 =	rddreg [dreg:$0x9];
	[sflag:s17] =	ssyncadd.s32 $0xFFFFFF80  }
0x1f: {  	[tilespmem:s19], [sflag:$0x5] =	stream.linear.gather [hbm4b:s8+s3], $0x80, $0x38;
	[tilespmem:$0x10A00] =	vst v63  }
0x20: {  	_ =	swait.ge [sflag:s17], $0x80  }
0x21: {  	[sflag:s17] =	ssyncset.done $0x0  }
0x22: {  	s9 =	rddreg [dreg:$0xa];
	[sflag:s17] =	ssyncadd.s32 $0xFFFFFF80  }
0x23: {  	[tilespmem:s20], [sflag:$0x5] =	stream.linear.gather [hbm4b:s9+s3], $0x80, $0x38;
	[tilespmem:$0x10A00] =	vst v63  }
0x24: {  	_ =	swait.ge [sflag:s17], $0x80  }
0x25: {  	[sflag:s17] =	ssyncset.done $0x0  }
0x26: {  	[sflag:s17] =	ssyncadd.s32 $0xFFFFFF80  }
0x27: {  	[tilespmem:s21], [sflag:$0x5] =	stream.linear.gather [hbm4b:s11+s3], $0x80, $0x38;
	[tilespmem:$0x10A00] =	vst v63  }
0x28: {  	_ =	swait.ge [sflag:s17], $0x80  }
0x29: {  	[sflag:s17] =	ssyncset.done $0x0  }
0x2a: {  	[sflag:s17] =	ssyncadd.s32 $0xFFFFFF80  }
0x2b: {  	[tilespmem:s22], [sflag:$0x5] =	stream.linear.gather [hbm4b:s12+s3], $0x80, $0x38;
	[tilespmem:$0x10A00] =	vst v63  }
0x2c: {  	_ =	swait.ge [sflag:s17], $0x80  }
0x2d: {  	[sflag:s17] =	ssyncset.done $0x0  }
0x2e: {  	[sflag:s17] =	ssyncadd.s32 $0xFFFFFF80  }
0x2f: {  	[tilespmem:s23], [sflag:$0x5] =	stream.linear.gather [hbm4b:s13+s3], $0x80, $0x38;
	[tilespmem:$0x10A00] =	vst v63  }
0x30: {  	_ =	swait.ge [sflag:s17], $0x80  }
0x31: {  	[sflag:s17] =	ssyncset.done $0x0  }
0x32: {  	[sflag:s17] =	ssyncadd.s32 $0xFFFFFF80  }
0x33: {  	[tilespmem:s24], [sflag:$0x5] =	stream.linear.gather [hbm4b:s14+s3], $0x80, $0x38;
	[tilespmem:$0x10A00] =	vst v63  }
0x34: {  	_ =	swait.ge [sflag:s17], $0x80  }
0x35: {  	[sflag:s17] =	ssyncset.done $0x0  }
0x36: {  	[sflag:s17] =	ssyncadd.s32 $0xFFFFFF80  }
0x37: {  	[tilespmem:s25], [sflag:$0x1] =	stream.indirect.gather [hbm4b:s5+s19], $0x40, s3, s19, $0xb8;
	[tilespmem:$0x10A00] =	vst v63  }
0x38: {  	_ = 	snop  }
0x39: {  	[tilespmem:s26], [sflag:$0x2] =	stream.indirect.gather [hbm4b:s6+s19], $0x40, s18, s19, $0xb8;
	[tilespmem:$0x10A00] =	vst v63  }
0x3a: {  	s7 =	simm.s32 $0x10400  }
0x3b: {  	[tilespmem:s7], [sflag:$0x3] =	stream.indirect.gather [hbm4b:s1+s19], $0x1, s3, s19, $0xb8;
	[tilespmem:$0x10A00] =	vst v63  }
0x3c: {  	s8 =	simm.s32 $0x10600  }
0x3d: {  	[tilespmem:s8], [sflag:$0x4] =	stream.indirect.gather [hbm4b:s2+s19], $0x1, s18, s19, $0xb8;
	[tilespmem:$0x10A00] =	vst v63  }
0x3e: {  	s9 =	simm.s32 $0x2400  }
0x3f: {  	[tilespmem:s9], [sflag:$0x1] =	stream.indirect.gather [hbm4b:s5+s19], $0x40, s19, s19, $0xb8;
	[tilespmem:$0x10A00] =	vst v63  }
0x40: {  	s10 =	simm.s32 $0xA400  }
0x41: {  	[tilespmem:s10], [sflag:$0x2] =	stream.indirect.gather [hbm4b:s6+s19], $0x40, s20, s19, $0xb8;
	[tilespmem:$0x10A00] =	vst v63  }
0x42: {  	s10 =	simm.s32 $0x10480  }
0x43: {  	[tilespmem:s10], [sflag:$0x3] =	stream.indirect.gather [hbm4b:s1+s19], $0x1, s19, s19, $0xb8;
	[tilespmem:$0x10A00] =	vst v63  }
0x44: {  	s10 =	simm.s32 $0x10680  }
0x45: {  	[tilespmem:s10], [sflag:$0x4] =	stream.indirect.gather [hbm4b:s2+s19], $0x1, s20, s19, $0xb8;
	[tilespmem:$0x10A00] =	vst v63  }
0x46: {  	s10 =	simm.s32 $0x4400  }
0x47: {  	[tilespmem:s10], [sflag:$0x1] =	stream.indirect.gather [hbm4b:s5+s19], $0x40, s21, s19, $0xb8;
	[tilespmem:$0x10A00] =	vst v63  }
0x48: {  	s10 =	simm.s32 $0xC400  }
0x49: {  	[tilespmem:s10], [sflag:$0x2] =	stream.indirect.gather [hbm4b:s6+s19], $0x40, s22, s19, $0xb8;
	[tilespmem:$0x10A00] =	vst v63  }
0x4a: {  	s10 =	simm.s32 $0x10500  }
0x4b: {  	[tilespmem:s10], [sflag:$0x3] =	stream.indirect.gather [hbm4b:s1+s19], $0x1, s21, s19, $0xb8;
	[tilespmem:$0x10A00] =	vst v63  }
0x4c: {  	s10 =	simm.s32 $0x10700  }
0x4d: {  	[tilespmem:s10], [sflag:$0x4] =	stream.indirect.gather [hbm4b:s2+s19], $0x1, s22, s19, $0xb8;
	[tilespmem:$0x10A00] =	vst v63  }
0x4e: {  	s10 =	simm.s32 $0x6400  }
0x4f: {  	[tilespmem:s10], [sflag:$0x1] =	stream.indirect.gather [hbm4b:s5+s19], $0x40, s23, s19, $0xb8;
	[tilespmem:$0x10A00] =	vst v63  }
0x50: {  	s10 =	simm.s32 $0xE400  }
0x51: {  	[tilespmem:s10], [sflag:$0x2] =	stream.indirect.gather [hbm4b:s6+s19], $0x40, s24, s19, $0xb8;
	[tilespmem:$0x10A00] =	vst v63  }
0x52: {  	s10 =	simm.s32 $0x10580  }
0x53: {  	[tilespmem:s10], [sflag:$0x3] =	stream.indirect.gather [hbm4b:s1+s19], $0x1, s23, s19, $0xb8;
	[tilespmem:$0x10A00] =	vst v63  }
0x54: {  	s10 =	simm.s32 $0x10780  }
0x55: {  	[tilespmem:s10], [sflag:$0x4] =	stream.indirect.gather [hbm4b:s2+s19], $0x1, s24, s19, $0xb8;
	[tilespmem:$0x10A00] =	vst v63  }
0x56: {  	_ =	swait.ge [sflag:s28], $0x2000  }
0x57: {  	[sflag:s28] =	ssyncset.done $0x0  }
0x58: {  	[sflag:s28] =	ssyncadd.s32 $0xFFFFE000  }
0x59: {  	_ =	swait.ge [sflag:s29], $0x2000  }
0x5a: {  	[sflag:s29] =	ssyncset.done $0x0  }
0x5b: {  	[sflag:s29] =	ssyncadd.s32 $0xFFFFE000  }
0x5c: {  	_ =	swait.ge [sflag:s30], $0x80  }
0x5d: {  	[sflag:s30] =	ssyncset.done $0x0  }
0x5e: {  	[sflag:s30] =	ssyncadd.s32 $0xFFFFFF80  }
0x5f: {  	_ =	swait.ge [sflag:s31], $0x80  }
0x60: {  	[sflag:s31] =	ssyncset.done $0x0  }
0x61: {  	[sflag:s31] =	ssyncadd.s32 $0xFFFFFF80  }
0x62: {  	_ =	swait.ge [sflag:s28], $0x2000  }
0x63: {  	[sflag:s28] =	ssyncset.done $0x0  }
0x64: {  	[sflag:s28] =	ssyncadd.s32 $0xFFFFE000  }
0x65: {  	_ =	swait.ge [sflag:s29], $0x2000  }
0x66: {  	[sflag:s29] =	ssyncset.done $0x0  }
0x67: {  	[sflag:s29] =	ssyncadd.s32 $0xFFFFE000  }
0x68: {  	_ =	swait.ge [sflag:s30], $0x80  }
0x69: {  	[sflag:s30] =	ssyncset.done $0x0  }
0x6a: {  	[sflag:s30] =	ssyncadd.s32 $0xFFFFFF80  }
0x6b: {  	_ =	swait.ge [sflag:s31], $0x80  }
0x6c: {  	[sflag:s31] =	ssyncset.done $0x0  }
0x6d: {  	[sflag:s31] =	ssyncadd.s32 $0xFFFFFF80  }
0x6e: {  	_ =	swait.ge [sflag:s28], $0x2000  }
0x6f: {  	[sflag:s28] =	ssyncset.done $0x0  }
0x70: {  	[sflag:s28] =	ssyncadd.s32 $0xFFFFE000  }
0x71: {  	_ =	swait.ge [sflag:s29], $0x2000  }
0x72: {  	[sflag:s29] =	ssyncset.done $0x0  }
0x73: {  	[sflag:s29] =	ssyncadd.s32 $0xFFFFE000  }
0x74: {  	_ =	swait.ge [sflag:s30], $0x80  }
0x75: {  	[sflag:s30] =	ssyncset.done $0x0  }
0x76: {  	[sflag:s30] =	ssyncadd.s32 $0xFFFFFF80  }
0x77: {  	_ =	swait.ge [sflag:s31], $0x80  }
0x78: {  	[sflag:s31] =	ssyncset.done $0x0  }
0x79: {  	[sflag:s31] =	ssyncadd.s32 $0xFFFFFF80  }
0x7a: {  	_ =	swait.ge [sflag:s28], $0x2000  }
0x7b: {  	[sflag:s28] =	ssyncset.done $0x0  }
0x7c: {  	[sflag:s28] =	ssyncadd.s32 $0xFFFFE000  }
0x7d: {  	_ =	swait.ge [sflag:s29], $0x2000  }
0x7e: {  	[sflag:s29] =	ssyncset.done $0x0  }
0x7f: {  	[sflag:s29] =	ssyncadd.s32 $0xFFFFE000  }
0x80: {  	v1 =	vmov s3;
	_ =	swait.ge [sflag:s30], $0x80  }
0x81: {  	v1 =	vshll.u32 v1, $0x6;
	[sflag:s30] =	ssyncset.done $0x0  }
0x82: {  	v1 =	vor.u32 v0, v1;
	[sflag:s30] =	ssyncadd.s32 $0xFFFFFF80  }
0x83: {  	_ =	swait.ge [sflag:s31], $0x80  }
0x84: {  	[sflag:s31] =	ssyncset.done $0x0  }
0x85: {  	v2 =	vor.u32 $0x1, v1;
	[sflag:s31] =	ssyncadd.s32 $0xFFFFFF80  }
0x86: {  	v3 =	vld [tilespmem:s8+$0x0]  }
0x87: {  	v4 =	vor.u32 $0x2, v1;
	v5 =	vld.idx.msk [tilespmem:v1+s25+$0x0], $0xffff  }
0x88: {  	v6 =	vld.idx.msk [tilespmem:v1+s26+$0x0], $0xffff  }
0x89: {  	v7 =	vor.u32 $0x3, v1;
	v8 =	vld [tilespmem:s7+$0x0]  }
0x8a: {  	v9 =	vld.idx.msk [tilespmem:v2+s25+$0x0], $0xffff  }
0x8b: {  	v10 =	vor.u32 $0x4, v1;
	v2 =	vld.idx.msk [tilespmem:v2+s26+$0x0], $0xffff  }
0x8c: {  	v11 =	vld.idx.msk [tilespmem:v4+s25+$0x0], $0xffff  }
0x8d: {  	v12 =	vor.u32 $0x5, v1;
	v4 =	vld.idx.msk [tilespmem:v4+s26+$0x0], $0xffff  }
0x8e: {  	v13 =	vld.idx.msk [tilespmem:v7+s25+$0x0], $0xffff;
	v3 =	vadd.f32 v3, v8;
	v5 =	vmul.f32 v6, v5  }
0x8f: {  	v6 =	vld.idx.msk [tilespmem:v7+s26+$0x0], $0xffff;
	v7 =	vor.u32 $0x6, v1  }
0x90: {  	v56 =	vld.idx.msk [tilespmem:v10+s25+$0x0], $0xffff;
	v2 =	vmul.f32 v2, v9;
	v3 =	vadd.f32 v5, v3  }
0x91: {  	v57 =	vor.u32 $0x7, v1;
	v5 =	vld.idx.msk [tilespmem:v10+s26+$0x0], $0xffff  }
0x92: {  	v58 =	vld.idx.msk [tilespmem:v12+s25+$0x0], $0xffff;
	v2 =	vadd.f32 v2, v3;
	v3 =	vmul.f32 v4, v11  }
0x93: {  	v59 =	vor.u32 $0x8, v1;
	v4 =	vld.idx.msk [tilespmem:v12+s26+$0x0], $0xffff  }
0x94: {  	v60 =	vld.idx.msk [tilespmem:v7+s25+$0x0], $0xffff;
	v2 =	vadd.f32 v3, v2;
	v3 =	vmul.f32 v6, v13  }
0x95: {  	v6 =	vld.idx.msk [tilespmem:v7+s26+$0x0], $0xffff;
	v7 =	vor.u32 $0x9, v1  }
0x96: {  	v61 =	vld.idx.msk [tilespmem:v57+s25+$0x0], $0xffff;
	v2 =	vadd.f32 v3, v2;
	v3 =	vmul.f32 v5, v56  }
0x97: {  	v62 =	vor.u32 $0xA, v1;
	v5 =	vld.idx.msk [tilespmem:v57+s26+$0x0], $0xffff  }
0x98: {  	v63 =	vld.idx.msk [tilespmem:v59+s25+$0x0], $0xffff;
	v2 =	vadd.f32 v3, v2;
	v3 =	vmul.f32 v4, v58  }
0x99: {  	v16 =	vor.u32 $0xB, v1;
	v4 =	vld.idx.msk [tilespmem:v59+s26+$0x0], $0xffff  }
0x9a: {  	v17 =	vld.idx.msk [tilespmem:v7+s25+$0x0], $0xffff;
	v2 =	vadd.f32 v3, v2;
	v3 =	vmul.f32 v6, v60  }
0x9b: {  	v6 =	vld.idx.msk [tilespmem:v7+s26+$0x0], $0xffff;
	v7 =	vor.u32 $0xC, v1  }
0x9c: {  	v18 =	vld.idx.msk [tilespmem:v62+s25+$0x0], $0xffff;
	v2 =	vadd.f32 v3, v2;
	v3 =	vmul.f32 v5, v61  }
0x9d: {  	v19 =	vor.u32 $0xD, v1;
	v5 =	vld.idx.msk [tilespmem:v62+s26+$0x0], $0xffff  }
0x9e: {  	v20 =	vld.idx.msk [tilespmem:v16+s25+$0x0], $0xffff;
	v2 =	vadd.f32 v3, v2;
	v3 =	vmul.f32 v4, v63  }
0x9f: {  	v21 =	vor.u32 $0xE, v1;
	v4 =	vld.idx.msk [tilespmem:v16+s26+$0x0], $0xffff  }
0xa0: {  	v22 =	vld.idx.msk [tilespmem:v7+s25+$0x0], $0xffff;
	v2 =	vadd.f32 v3, v2;
	v3 =	vmul.f32 v6, v17  }
0xa1: {  	v6 =	vld.idx.msk [tilespmem:v7+s26+$0x0], $0xffff;
	v7 =	vor.u32 $0xF, v1  }
0xa2: {  	v23 =	vld.idx.msk [tilespmem:v19+s25+$0x0], $0xffff;
	v2 =	vadd.f32 v3, v2;
	v3 =	vmul.f32 v5, v18  }
0xa3: {  	v24 =	vor.u32 $0x10, v1;
	v5 =	vld.idx.msk [tilespmem:v19+s26+$0x0], $0xffff  }
0xa4: {  	v25 =	vld.idx.msk [tilespmem:v21+s25+$0x0], $0xffff;
	v2 =	vadd.f32 v3, v2;
	v3 =	vmul.f32 v4, v20  }
0xa5: {  	v26 =	vor.u32 $0x11, v1;
	v4 =	vld.idx.msk [tilespmem:v21+s26+$0x0], $0xffff  }
0xa6: {  	v27 =	vld.idx.msk [tilespmem:v7+s25+$0x0], $0xffff;
	v2 =	vadd.f32 v3, v2;
	v3 =	vmul.f32 v6, v22  }
0xa7: {  	v6 =	vld.idx.msk [tilespmem:v7+s26+$0x0], $0xffff;
	v7 =	vor.u32 $0x12, v1  }
0xa8: {  	v28 =	vld.idx.msk [tilespmem:v24+s25+$0x0], $0xffff;
	v2 =	vadd.f32 v3, v2;
	v3 =	vmul.f32 v5, v23  }
0xa9: {  	v29 =	vor.u32 $0x13, v1;
	v5 =	vld.idx.msk [tilespmem:v24+s26+$0x0], $0xffff  }
0xaa: {  	v30 =	vld.idx.msk [tilespmem:v26+s25+$0x0], $0xffff;
	v2 =	vadd.f32 v3, v2;
	v3 =	vmul.f32 v4, v25  }
0xab: {  	v31 =	vor.u32 $0x14, v1;
	v4 =	vld.idx.msk [tilespmem:v26+s26+$0x0], $0xffff  }
0xac: {  	v32 =	vld.idx.msk [tilespmem:v7+s25+$0x0], $0xffff;
	v2 =	vadd.f32 v3, v2;
	v3 =	vmul.f32 v6, v27  }
0xad: {  	v6 =	vld.idx.msk [tilespmem:v7+s26+$0x0], $0xffff;
	v7 =	vor.u32 $0x15, v1  }
0xae: {  	v33 =	vld.idx.msk [tilespmem:v29+s25+$0x0], $0xffff;
	v2 =	vadd.f32 v3, v2;
	v3 =	vmul.f32 v5, v28  }
0xaf: {  	v34 =	vor.u32 $0x16, v1;
	v5 =	vld.idx.msk [tilespmem:v29+s26+$0x0], $0xffff  }
0xb0: {  	v35 =	vld.idx.msk [tilespmem:v31+s25+$0x0], $0xffff;
	v2 =	vadd.f32 v3, v2;
	v3 =	vmul.f32 v4, v30  }
0xb1: {  	v36 =	vor.u32 $0x17, v1;
	v4 =	vld.idx.msk [tilespmem:v31+s26+$0x0], $0xffff  }
0xb2: {  	v37 =	vld.idx.msk [tilespmem:v7+s25+$0x0], $0xffff;
	v2 =	vadd.f32 v3, v2;
	v3 =	vmul.f32 v6, v32  }
0xb3: {  	v6 =	vld.idx.msk [tilespmem:v7+s26+$0x0], $0xffff;
	v7 =	vor.u32 $0x18, v1  }
0xb4: {  	v38 =	vld.idx.msk [tilespmem:v34+s25+$0x0], $0xffff;
	v2 =	vadd.f32 v3, v2;
	v3 =	vmul.f32 v5, v33  }
0xb5: {  	v39 =	vor.u32 $0x19, v1;
	v5 =	vld.idx.msk [tilespmem:v34+s26+$0x0], $0xffff  }
0xb6: {  	v40 =	vld.idx.msk [tilespmem:v36+s25+$0x0], $0xffff;
	v2 =	vadd.f32 v3, v2;
	v3 =	vmul.f32 v4, v35  }
0xb7: {  	v41 =	vor.u32 $0x1A, v1;
	v4 =	vld.idx.msk [tilespmem:v36+s26+$0x0], $0xffff  }
0xb8: {  	v42 =	vld.idx.msk [tilespmem:v7+s25+$0x0], $0xffff;
	v2 =	vadd.f32 v3, v2;
	v3 =	vmul.f32 v6, v37  }
0xb9: {  	v6 =	vld.idx.msk [tilespmem:v7+s26+$0x0], $0xffff;
	v7 =	vor.u32 $0x1B, v1  }
0xba: {  	v43 =	vld.idx.msk [tilespmem:v39+s25+$0x0], $0xffff;
	v2 =	vadd.f32 v3, v2;
	v3 =	vmul.f32 v5, v38  }
0xbb: {  	v44 =	vor.u32 $0x1C, v1;
	v5 =	vld.idx.msk [tilespmem:v39+s26+$0x0], $0xffff  }
0xbc: {  	v45 =	vld.idx.msk [tilespmem:v41+s25+$0x0], $0xffff;
	v2 =	vadd.f32 v3, v2;
	v3 =	vmul.f32 v4, v40  }
0xbd: {  	v46 =	vor.u32 $0x1D, v1;
	v4 =	vld.idx.msk [tilespmem:v41+s26+$0x0], $0xffff  }
0xbe: {  	v47 =	vld.idx.msk [tilespmem:v7+s25+$0x0], $0xffff;
	v2 =	vadd.f32 v3, v2;
	v3 =	vmul.f32 v6, v42  }
0xbf: {  	v6 =	vld.idx.msk [tilespmem:v7+s26+$0x0], $0xffff;
	v7 =	vor.u32 $0x1E, v1  }
0xc0: {  	v48 =	vld.idx.msk [tilespmem:v44+s25+$0x0], $0xffff;
	v2 =	vadd.f32 v3, v2;
	v3 =	vmul.f32 v5, v43  }
0xc1: {  	v49 =	vor.u32 $0x1F, v1;
	v5 =	vld.idx.msk [tilespmem:v44+s26+$0x0], $0xffff  }
0xc2: {  	v50 =	vld.idx.msk [tilespmem:v46+s25+$0x0], $0xffff;
	v2 =	vadd.f32 v3, v2;
	v3 =	vmul.f32 v4, v45  }
0xc3: {  	v51 =	vor.u32 $0x20, v1;
	v4 =	vld.idx.msk [tilespmem:v46+s26+$0x0], $0xffff  }
0xc4: {  	v52 =	vld.idx.msk [tilespmem:v7+s25+$0x0], $0xffff;
	v2 =	vadd.f32 v3, v2;
	v3 =	vmul.f32 v6, v47  }
0xc5: {  	v6 =	vld.idx.msk [tilespmem:v7+s26+$0x0], $0xffff;
	v7 =	vor.u32 $0x21, v1  }
0xc6: {  	v53 =	vld.idx.msk [tilespmem:v49+s25+$0x0], $0xffff;
	v2 =	vadd.f32 v3, v2;
	v3 =	vmul.f32 v5, v48  }
0xc7: {  	v54 =	vor.u32 $0x22, v1;
	v5 =	vld.idx.msk [tilespmem:v49+s26+$0x0], $0xffff  }
0xc8: {  	v55 =	vld.idx.msk [tilespmem:v51+s25+$0x0], $0xffff;
	v2 =	vadd.f32 v3, v2;
	v3 =	vmul.f32 v4, v50  }
0xc9: {  	v56 =	vor.u32 $0x23, v1;
	v4 =	vld.idx.msk [tilespmem:v51+s26+$0x0], $0xffff  }
0xca: {  	v57 =	vld.idx.msk [tilespmem:v7+s25+$0x0], $0xffff;
	v2 =	vadd.f32 v3, v2;
	v3 =	vmul.f32 v6, v52  }
0xcb: {  	v6 =	vld.idx.msk [tilespmem:v7+s26+$0x0], $0xffff;
	v7 =	vor.u32 $0x24, v1  }
0xcc: {  	v58 =	vld.idx.msk [tilespmem:v54+s25+$0x0], $0xffff;
	v2 =	vadd.f32 v3, v2;
	v3 =	vmul.f32 v5, v53  }
0xcd: {  	v59 =	vor.u32 $0x25, v1;
	v5 =	vld.idx.msk [tilespmem:v54+s26+$0x0], $0xffff  }
0xce: {  	v60 =	vld.idx.msk [tilespmem:v56+s25+$0x0], $0xffff;
	v2 =	vadd.f32 v3, v2;
	v3 =	vmul.f32 v4, v55  }
0xcf: {  	v61 =	vor.u32 $0x26, v1;
	v4 =	vld.idx.msk [tilespmem:v56+s26+$0x0], $0xffff  }
0xd0: {  	v62 =	vld.idx.msk [tilespmem:v7+s25+$0x0], $0xffff;
	v2 =	vadd.f32 v3, v2;
	v3 =	vmul.f32 v6, v57  }
0xd1: {  	v6 =	vld.idx.msk [tilespmem:v7+s26+$0x0], $0xffff;
	v7 =	vor.u32 $0x27, v1  }
0xd2: {  	v63 =	vld.idx.msk [tilespmem:v59+s25+$0x0], $0xffff;
	v2 =	vadd.f32 v3, v2;
	v3 =	vmul.f32 v5, v58  }
0xd3: {  	v16 =	vor.u32 $0x28, v1;
	v5 =	vld.idx.msk [tilespmem:v59+s26+$0x0], $0xffff  }
0xd4: {  	v17 =	vld.idx.msk [tilespmem:v61+s25+$0x0], $0xffff;
	v2 =	vadd.f32 v3, v2;
	v3 =	vmul.f32 v4, v60  }
0xd5: {  	v18 =	vor.u32 $0x29, v1;
	v4 =	vld.idx.msk [tilespmem:v61+s26+$0x0], $0xffff  }
0xd6: {  	v19 =	vld.idx.msk [tilespmem:v7+s25+$0x0], $0xffff;
	v2 =	vadd.f32 v3, v2;
	v3 =	vmul.f32 v6, v62  }
0xd7: {  	v6 =	vld.idx.msk [tilespmem:v7+s26+$0x0], $0xffff;
	v7 =	vor.u32 $0x2A, v1  }
0xd8: {  	v20 =	vld.idx.msk [tilespmem:v16+s25+$0x0], $0xffff;
	v2 =	vadd.f32 v3, v2;
	v3 =	vmul.f32 v5, v63  }
0xd9: {  	v21 =	vor.u32 $0x2B, v1;
	v5 =	vld.idx.msk [tilespmem:v16+s26+$0x0], $0xffff  }
0xda: {  	v22 =	vld.idx.msk [tilespmem:v18+s25+$0x0], $0xffff;
	v2 =	vadd.f32 v3, v2;
	v3 =	vmul.f32 v4, v17  }
0xdb: {  	v23 =	vor.u32 $0x2C, v1;
	v4 =	vld.idx.msk [tilespmem:v18+s26+$0x0], $0xffff  }
0xdc: {  	v24 =	vld.idx.msk [tilespmem:v7+s25+$0x0], $0xffff;
	v2 =	vadd.f32 v3, v2;
	v3 =	vmul.f32 v6, v19  }
0xdd: {  	v6 =	vld.idx.msk [tilespmem:v7+s26+$0x0], $0xffff;
	v7 =	vor.u32 $0x2D, v1  }
0xde: {  	v25 =	vld.idx.msk [tilespmem:v21+s25+$0x0], $0xffff;
	v2 =	vadd.f32 v3, v2;
	v3 =	vmul.f32 v5, v20  }
0xdf: {  	v26 =	vor.u32 $0x2E, v1;
	v5 =	vld.idx.msk [tilespmem:v21+s26+$0x0], $0xffff  }
0xe0: {  	v27 =	vld.idx.msk [tilespmem:v23+s25+$0x0], $0xffff;
	v2 =	vadd.f32 v3, v2;
	v3 =	vmul.f32 v4, v22  }
0xe1: {  	v28 =	vor.u32 $0x2F, v1;
	v4 =	vld.idx.msk [tilespmem:v23+s26+$0x0], $0xffff  }
0xe2: {  	v29 =	vld.idx.msk [tilespmem:v7+s25+$0x0], $0xffff;
	v2 =	vadd.f32 v3, v2;
	v3 =	vmul.f32 v6, v24  }
0xe3: {  	v6 =	vld.idx.msk [tilespmem:v7+s26+$0x0], $0xffff;
	v7 =	vor.u32 $0x30, v1  }
0xe4: {  	v30 =	vld.idx.msk [tilespmem:v26+s25+$0x0], $0xffff;
	v2 =	vadd.f32 v3, v2;
	v3 =	vmul.f32 v5, v25  }
0xe5: {  	v31 =	vor.u32 $0x31, v1;
	v5 =	vld.idx.msk [tilespmem:v26+s26+$0x0], $0xffff  }
0xe6: {  	v32 =	vld.idx.msk [tilespmem:v28+s25+$0x0], $0xffff;
	v2 =	vadd.f32 v3, v2;
	v3 =	vmul.f32 v4, v27  }
0xe7: {  	v33 =	vor.u32 $0x32, v1;
	v4 =	vld.idx.msk [tilespmem:v28+s26+$0x0], $0xffff  }
0xe8: {  	v34 =	vld.idx.msk [tilespmem:v7+s25+$0x0], $0xffff;
	v2 =	vadd.f32 v3, v2;
	v3 =	vmul.f32 v6, v29  }
0xe9: {  	v6 =	vld.idx.msk [tilespmem:v7+s26+$0x0], $0xffff;
	v7 =	vor.u32 $0x33, v1  }
0xea: {  	v35 =	vld.idx.msk [tilespmem:v31+s25+$0x0], $0xffff;
	v2 =	vadd.f32 v3, v2;
	v3 =	vmul.f32 v5, v30  }
0xeb: {  	v36 =	vor.u32 $0x34, v1;
	v5 =	vld.idx.msk [tilespmem:v31+s26+$0x0], $0xffff  }
0xec: {  	v37 =	vld.idx.msk [tilespmem:v33+s25+$0x0], $0xffff;
	v2 =	vadd.f32 v3, v2;
	v3 =	vmul.f32 v4, v32  }
0xed: {  	v38 =	vor.u32 $0x35, v1;
	v4 =	vld.idx.msk [tilespmem:v33+s26+$0x0], $0xffff  }
0xee: {  	v39 =	vld.idx.msk [tilespmem:v7+s25+$0x0], $0xffff;
	v2 =	vadd.f32 v3, v2;
	v3 =	vmul.f32 v6, v34  }
0xef: {  	v6 =	vld.idx.msk [tilespmem:v7+s26+$0x0], $0xffff;
	v7 =	vor.u32 $0x36, v1  }
0xf0: {  	v40 =	vld.idx.msk [tilespmem:v36+s25+$0x0], $0xffff;
	v2 =	vadd.f32 v3, v2;
	v3 =	vmul.f32 v5, v35  }
0xf1: {  	v41 =	vor.u32 $0x37, v1;
	v5 =	vld.idx.msk [tilespmem:v36+s26+$0x0], $0xffff  }
0xf2: {  	v42 =	vld.idx.msk [tilespmem:v38+s25+$0x0], $0xffff;
	v2 =	vadd.f32 v3, v2;
	v3 =	vmul.f32 v4, v37  }
0xf3: {  	v43 =	vor.u32 $0x38, v1;
	v4 =	vld.idx.msk [tilespmem:v38+s26+$0x0], $0xffff  }
0xf4: {  	v44 =	vld.idx.msk [tilespmem:v7+s25+$0x0], $0xffff;
	v2 =	vadd.f32 v3, v2;
	v3 =	vmul.f32 v6, v39  }
0xf5: {  	v6 =	vld.idx.msk [tilespmem:v7+s26+$0x0], $0xffff;
	v7 =	vor.u32 $0x39, v1  }
0xf6: {  	v45 =	vld.idx.msk [tilespmem:v41+s25+$0x0], $0xffff;
	v2 =	vadd.f32 v3, v2;
	v3 =	vmul.f32 v5, v40  }
0xf7: {  	v46 =	vor.u32 $0x3A, v1;
	v5 =	vld.idx.msk [tilespmem:v41+s26+$0x0], $0xffff  }
0xf8: {  	v47 =	vld.idx.msk [tilespmem:v43+s25+$0x0], $0xffff;
	v2 =	vadd.f32 v3, v2;
	v3 =	vmul.f32 v4, v42  }
0xf9: {  	v48 =	vor.u32 $0x3B, v1;
	v4 =	vld.idx.msk [tilespmem:v43+s26+$0x0], $0xffff  }
0xfa: {  	v49 =	vld.idx.msk [tilespmem:v7+s25+$0x0], $0xffff;
	v2 =	vadd.f32 v3, v2;
	v3 =	vmul.f32 v6, v44  }
0xfb: {  	v6 =	vld.idx.msk [tilespmem:v7+s26+$0x0], $0xffff;
	v7 =	vor.u32 $0x3C, v1  }
0xfc: {  	v50 =	vld.idx.msk [tilespmem:v46+s25+$0x0], $0xffff;
	v2 =	vadd.f32 v3, v2;
	v3 =	vmul.f32 v5, v45  }
0xfd: {  	v51 =	vor.u32 $0x3D, v1;
	v5 =	vld.idx.msk [tilespmem:v46+s26+$0x0], $0xffff  }
0xfe: {  	v52 =	vld.idx.msk [tilespmem:v48+s25+$0x0], $0xffff;
	v2 =	vadd.f32 v3, v2;
	v3 =	vmul.f32 v4, v47  }
0xff: {  	v53 =	vor.u32 $0x3E, v1;
	v4 =	vld.idx.msk [tilespmem:v48+s26+$0x0], $0xffff  }
0x100: {  	v54 =	vld.idx.msk [tilespmem:v7+s25+$0x0], $0xffff;
	v2 =	vadd.f32 v3, v2;
	v3 =	vmul.f32 v6, v49  }
0x101: {  	v1 =	vor.u32 $0x3F, v1;
	v6 =	vld.idx.msk [tilespmem:v7+s26+$0x0], $0xffff  }
0x102: {  	v7 =	vld.idx.msk [tilespmem:v51+s25+$0x0], $0xffff;
	v2 =	vadd.f32 v3, v2;
	v3 =	vmul.f32 v5, v50  }
0x103: {  	v5 =	vld.idx.msk [tilespmem:v51+s26+$0x0], $0xffff  }
0x104: {  	v55 =	vld.idx.msk [tilespmem:v53+s25+$0x0], $0xffff;
	v2 =	vadd.f32 v3, v2;
	v3 =	vmul.f32 v4, v52  }
0x105: {  	v4 =	vld.idx.msk [tilespmem:v53+s26+$0x0], $0xffff  }
0x106: {  	v56 =	vld.idx.msk [tilespmem:v1+s25+$0x0], $0xffff;
	v2 =	vadd.f32 v3, v2;
	v3 =	vmul.f32 v6, v54  }
0x107: {  	v1 =	vld.idx.msk [tilespmem:v1+s26+$0x0], $0xffff  }
0x108: {  	v2 =	vadd.f32 v3, v2;
	v3 =	vmul.f32 v5, v7;
	_ =	sdelay $0x1  }
0x109: {  	s9 =	simm.s32 $0x10;
	v2 =	vadd.f32 v3, v2;
	v3 =	vmul.f32 v4, v55  }
0x10a: {  	v4 =	vmov s9  }
0x10b: {  	v4 =	vshll.u32 v4, $0x6;
	v2 =	vadd.f32 v3, v2;
	v3 =	vmul.f32 v1, v56  }
0x10c: {  	v1 =	vor.u32 v0, v4  }
0x10d: {  	v2 =	vadd.f32 v3, v2;
	_ =	sdelay $0x1  }
0x10e: {  	s7 =	simm.s32 $0x10610;
	v3 =	vor.u32 $0x1, v1;
	[tilespmem:s0+$0x0] =	vst v2  }
0x10f: {  	v2 =	vld [tilespmem:s7+$0x0]  }
0x110: {  	v4 =	vor.u32 $0x2, v1;
	v5 =	vld.idx.msk [tilespmem:v1+s25+$0x0], $0xffff  }
0x111: {  	s8 =	simm.s32 $0x10410;
	v6 =	vld.idx.msk [tilespmem:v1+s26+$0x0], $0xffff  }
0x112: {  	v7 =	vor.u32 $0x3, v1;
	v57 =	vld [tilespmem:s8+$0x0]  }
0x113: {  	v58 =	vld.idx.msk [tilespmem:v3+s25+$0x0], $0xffff  }
0x114: {  	v59 =	vor.u32 $0x4, v1;
	v3 =	vld.idx.msk [tilespmem:v3+s26+$0x0], $0xffff  }
0x115: {  	v60 =	vld.idx.msk [tilespmem:v4+s25+$0x0], $0xffff  }
0x116: {  	v61 =	vor.u32 $0x5, v1;
	v4 =	vld.idx.msk [tilespmem:v4+s26+$0x0], $0xffff  }
0x117: {  	v62 =	vld.idx.msk [tilespmem:v7+s25+$0x0], $0xffff;
	v2 =	vadd.f32 v2, v57;
	v5 =	vmul.f32 v6, v5  }
0x118: {  	v6 =	vld.idx.msk [tilespmem:v7+s26+$0x0], $0xffff;
	v7 =	vor.u32 $0x6, v1  }
0x119: {  	v63 =	vld.idx.msk [tilespmem:v59+s25+$0x0], $0xffff;
	v2 =	vadd.f32 v5, v2;
	v3 =	vmul.f32 v3, v58  }
0x11a: {  	v16 =	vor.u32 $0x7, v1;
	v5 =	vld.idx.msk [tilespmem:v59+s26+$0x0], $0xffff  }
0x11b: {  	v17 =	vld.idx.msk [tilespmem:v61+s25+$0x0], $0xffff;
	v2 =	vadd.f32 v3, v2;
	v3 =	vmul.f32 v4, v60  }
0x11c: {  	v18 =	vor.u32 $0x8, v1;
	v4 =	vld.idx.msk [tilespmem:v61+s26+$0x0], $0xffff  }
0x11d: {  	v19 =	vld.idx.msk [tilespmem:v7+s25+$0x0], $0xffff;
	v2 =	vadd.f32 v3, v2;
	v3 =	vmul.f32 v6, v62  }
0x11e: {  	v6 =	vld.idx.msk [tilespmem:v7+s26+$0x0], $0xffff;
	v7 =	vor.u32 $0x9, v1  }
0x11f: {  	v20 =	vld.idx.msk [tilespmem:v16+s25+$0x0], $0xffff;
	v2 =	vadd.f32 v3, v2;
	v3 =	vmul.f32 v5, v63  }
0x120: {  	v21 =	vor.u32 $0xA, v1;
	v5 =	vld.idx.msk [tilespmem:v16+s26+$0x0], $0xffff  }
0x121: {  	v22 =	vld.idx.msk [tilespmem:v18+s25+$0x0], $0xffff;
	v2 =	vadd.f32 v3, v2;
	v3 =	vmul.f32 v4, v17  }
0x122: {  	v23 =	vor.u32 $0xB, v1;
	v4 =	vld.idx.msk [tilespmem:v18+s26+$0x0], $0xffff  }
0x123: {  	v24 =	vld.idx.msk [tilespmem:v7+s25+$0x0], $0xffff;
	v2 =	vadd.f32 v3, v2;
	v3 =	vmul.f32 v6, v19  }
0x124: {  	v6 =	vld.idx.msk [tilespmem:v7+s26+$0x0], $0xffff;
	v7 =	vor.u32 $0xC, v1  }
0x125: {  	v25 =	vld.idx.msk [tilespmem:v21+s25+$0x0], $0xffff;
	v2 =	vadd.f32 v3, v2;
	v3 =	vmul.f32 v5, v20  }
0x126: {  	v26 =	vor.u32 $0xD, v1;
	v5 =	vld.idx.msk [tilespmem:v21+s26+$0x0], $0xffff  }
0x127: {  	v27 =	vld.idx.msk [tilespmem:v23+s25+$0x0], $0xffff;
	v2 =	vadd.f32 v3, v2;
	v3 =	vmul.f32 v4, v22  }
0x128: {  	v28 =	vor.u32 $0xE, v1;
	v4 =	vld.idx.msk [tilespmem:v23+s26+$0x0], $0xffff  }
0x129: {  	v29 =	vld.idx.msk [tilespmem:v7+s25+$0x0], $0xffff;
	v2 =	vadd.f32 v3, v2;
	v3 =	vmul.f32 v6, v24  }
0x12a: {  	v6 =	vld.idx.msk [tilespmem:v7+s26+$0x0], $0xffff;
	v7 =	vor.u32 $0xF, v1  }
0x12b: {  	v30 =	vld.idx.msk [tilespmem:v26+s25+$0x0], $0xffff;
	v2 =	vadd.f32 v3, v2;
	v3 =	vmul.f32 v5, v25  }
0x12c: {  	v31 =	vor.u32 $0x10, v1;
	v5 =	vld.idx.msk [tilespmem:v26+s26+$0x0], $0xffff  }
0x12d: {  	v32 =	vld.idx.msk [tilespmem:v28+s25+$0x0], $0xffff;
	v2 =	vadd.f32 v3, v2;
	v3 =	vmul.f32 v4, v27  }
0x12e: {  	v33 =	vor.u32 $0x11, v1;
	v4 =	vld.idx.msk [tilespmem:v28+s26+$0x0], $0xffff  }
0x12f: {  	v34 =	vld.idx.msk [tilespmem:v7+s25+$0x0], $0xffff;
	v2 =	vadd.f32 v3, v2;
	v3 =	vmul.f32 v6, v29  }
0x130: {  	v6 =	vld.idx.msk [tilespmem:v7+s26+$0x0], $0xffff;
	v7 =	vor.u32 $0x12, v1  }
0x131: {  	v35 =	vld.idx.msk [tilespmem:v31+s25+$0x0], $0xffff;
	v2 =	vadd.f32 v3, v2;
	v3 =	vmul.f32 v5, v30  }
0x132: {  	v36 =	vor.u32 $0x13, v1;
	v5 =	vld.idx.msk [tilespmem:v31+s26+$0x0], $0xffff  }
0x133: {  	v37 =	vld.idx.msk [tilespmem:v33+s25+$0x0], $0xffff;
	v2 =	vadd.f32 v3, v2;
	v3 =	vmul.f32 v4, v32  }
0x134: {  	v38 =	vor.u32 $0x14, v1;
	v4 =	vld.idx.msk [tilespmem:v33+s26+$0x0], $0xffff  }
0x135: {  	v39 =	vld.idx.msk [tilespmem:v7+s25+$0x0], $0xffff;
	v2 =	vadd.f32 v3, v2;
	v3 =	vmul.f32 v6, v34  }
0x136: {  	v6 =	vld.idx.msk [tilespmem:v7+s26+$0x0], $0xffff;
	v7 =	vor.u32 $0x15, v1  }
0x137: {  	v40 =	vld.idx.msk [tilespmem:v36+s25+$0x0], $0xffff;
	v2 =	vadd.f32 v3, v2;
	v3 =	vmul.f32 v5, v35  }
0x138: {  	v41 =	vor.u32 $0x16, v1;
	v5 =	vld.idx.msk [tilespmem:v36+s26+$0x0], $0xffff  }
0x139: {  	v42 =	vld.idx.msk [tilespmem:v38+s25+$0x0], $0xffff;
	v2 =	vadd.f32 v3, v2;
	v3 =	vmul.f32 v4, v37  }
0x13a: {  	v43 =	vor.u32 $0x17, v1;
	v4 =	vld.idx.msk [tilespmem:v38+s26+$0x0], $0xffff  }
0x13b: {  	v44 =	vld.idx.msk [tilespmem:v7+s25+$0x0], $0xffff;
	v2 =	vadd.f32 v3, v2;
	v3 =	vmul.f32 v6, v39  }
0x13c: {  	v6 =	vld.idx.msk [tilespmem:v7+s26+$0x0], $0xffff;
	v7 =	vor.u32 $0x18, v1  }
0x13d: {  	v45 =	vld.idx.msk [tilespmem:v41+s25+$0x0], $0xffff;
	v2 =	vadd.f32 v3, v2;
	v3 =	vmul.f32 v5, v40  }
0x13e: {  	v46 =	vor.u32 $0x19, v1;
	v5 =	vld.idx.msk [tilespmem:v41+s26+$0x0], $0xffff  }
0x13f: {  	v47 =	vld.idx.msk [tilespmem:v43+s25+$0x0], $0xffff;
	v2 =	vadd.f32 v3, v2;
	v3 =	vmul.f32 v4, v42  }
0x140: {  	v48 =	vor.u32 $0x1A, v1;
	v4 =	vld.idx.msk [tilespmem:v43+s26+$0x0], $0xffff  }
0x141: {  	v49 =	vld.idx.msk [tilespmem:v7+s25+$0x0], $0xffff;
	v2 =	vadd.f32 v3, v2;
	v3 =	vmul.f32 v6, v44  }
0x142: {  	v6 =	vld.idx.msk [tilespmem:v7+s26+$0x0], $0xffff;
	v7 =	vor.u32 $0x1B, v1  }
0x143: {  	v50 =	vld.idx.msk [tilespmem:v46+s25+$0x0], $0xffff;
	v2 =	vadd.f32 v3, v2;
	v3 =	vmul.f32 v5, v45  }
0x144: {  	v51 =	vor.u32 $0x1C, v1;
	v5 =	vld.idx.msk [tilespmem:v46+s26+$0x0], $0xffff  }
0x145: {  	v52 =	vld.idx.msk [tilespmem:v48+s25+$0x0], $0xffff;
	v2 =	vadd.f32 v3, v2;
	v3 =	vmul.f32 v4, v47  }
0x146: {  	v53 =	vor.u32 $0x1D, v1;
	v4 =	vld.idx.msk [tilespmem:v48+s26+$0x0], $0xffff  }
0x147: {  	v54 =	vld.idx.msk [tilespmem:v7+s25+$0x0], $0xffff;
	v2 =	vadd.f32 v3, v2;
	v3 =	vmul.f32 v6, v49  }
0x148: {  	v6 =	vld.idx.msk [tilespmem:v7+s26+$0x0], $0xffff;
	v7 =	vor.u32 $0x1E, v1  }
0x149: {  	v55 =	vld.idx.msk [tilespmem:v51+s25+$0x0], $0xffff;
	v2 =	vadd.f32 v3, v2;
	v3 =	vmul.f32 v5, v50  }
0x14a: {  	v56 =	vor.u32 $0x1F, v1;
	v5 =	vld.idx.msk [tilespmem:v51+s26+$0x0], $0xffff  }
0x14b: {  	v57 =	vld.idx.msk [tilespmem:v53+s25+$0x0], $0xffff;
	v2 =	vadd.f32 v3, v2;
	v3 =	vmul.f32 v4, v52  }
0x14c: {  	v58 =	vor.u32 $0x20, v1;
	v4 =	vld.idx.msk [tilespmem:v53+s26+$0x0], $0xffff  }
0x14d: {  	v59 =	vld.idx.msk [tilespmem:v7+s25+$0x0], $0xffff;
	v2 =	vadd.f32 v3, v2;
	v3 =	vmul.f32 v6, v54  }
0x14e: {  	v6 =	vld.idx.msk [tilespmem:v7+s26+$0x0], $0xffff;
	v7 =	vor.u32 $0x21, v1  }
0x14f: {  	v60 =	vld.idx.msk [tilespmem:v56+s25+$0x0], $0xffff;
	v2 =	vadd.f32 v3, v2;
	v3 =	vmul.f32 v5, v55  }
0x150: {  	v61 =	vor.u32 $0x22, v1;
	v5 =	vld.idx.msk [tilespmem:v56+s26+$0x0], $0xffff  }
0x151: {  	v62 =	vld.idx.msk [tilespmem:v58+s25+$0x0], $0xffff;
	v2 =	vadd.f32 v3, v2;
	v3 =	vmul.f32 v4, v57  }
0x152: {  	v63 =	vor.u32 $0x23, v1;
	v4 =	vld.idx.msk [tilespmem:v58+s26+$0x0], $0xffff  }
0x153: {  	v16 =	vld.idx.msk [tilespmem:v7+s25+$0x0], $0xffff;
	v2 =	vadd.f32 v3, v2;
	v3 =	vmul.f32 v6, v59  }
0x154: {  	v6 =	vld.idx.msk [tilespmem:v7+s26+$0x0], $0xffff;
	v7 =	vor.u32 $0x24, v1  }
0x155: {  	v17 =	vld.idx.msk [tilespmem:v61+s25+$0x0], $0xffff;
	v2 =	vadd.f32 v3, v2;
	v3 =	vmul.f32 v5, v60  }
0x156: {  	v18 =	vor.u32 $0x25, v1;
	v5 =	vld.idx.msk [tilespmem:v61+s26+$0x0], $0xffff  }
0x157: {  	v19 =	vld.idx.msk [tilespmem:v63+s25+$0x0], $0xffff;
	v2 =	vadd.f32 v3, v2;
	v3 =	vmul.f32 v4, v62  }
0x158: {  	v20 =	vor.u32 $0x26, v1;
	v4 =	vld.idx.msk [tilespmem:v63+s26+$0x0], $0xffff  }
0x159: {  	v21 =	vld.idx.msk [tilespmem:v7+s25+$0x0], $0xffff;
	v2 =	vadd.f32 v3, v2;
	v3 =	vmul.f32 v6, v16  }
0x15a: {  	v6 =	vld.idx.msk [tilespmem:v7+s26+$0x0], $0xffff;
	v7 =	vor.u32 $0x27, v1  }
0x15b: {  	v22 =	vld.idx.msk [tilespmem:v18+s25+$0x0], $0xffff;
	v2 =	vadd.f32 v3, v2;
	v3 =	vmul.f32 v5, v17  }
0x15c: {  	v23 =	vor.u32 $0x28, v1;
	v5 =	vld.idx.msk [tilespmem:v18+s26+$0x0], $0xffff  }
0x15d: {  	v24 =	vld.idx.msk [tilespmem:v20+s25+$0x0], $0xffff;
	v2 =	vadd.f32 v3, v2;
	v3 =	vmul.f32 v4, v19  }
0x15e: {  	v25 =	vor.u32 $0x29, v1;
	v4 =	vld.idx.msk [tilespmem:v20+s26+$0x0], $0xffff  }
0x15f: {  	v26 =	vld.idx.msk [tilespmem:v7+s25+$0x0], $0xffff;
	v2 =	vadd.f32 v3, v2;
	v3 =	vmul.f32 v6, v21  }
0x160: {  	v6 =	vld.idx.msk [tilespmem:v7+s26+$0x0], $0xffff;
	v7 =	vor.u32 $0x2A, v1  }
0x161: {  	v27 =	vld.idx.msk [tilespmem:v23+s25+$0x0], $0xffff;
	v2 =	vadd.f32 v3, v2;
	v3 =	vmul.f32 v5, v22  }
0x162: {  	v28 =	vor.u32 $0x2B, v1;
	v5 =	vld.idx.msk [tilespmem:v23+s26+$0x0], $0xffff  }
0x163: {  	v29 =	vld.idx.msk [tilespmem:v25+s25+$0x0], $0xffff;
	v2 =	vadd.f32 v3, v2;
	v3 =	vmul.f32 v4, v24  }
0x164: {  	v30 =	vor.u32 $0x2C, v1;
	v4 =	vld.idx.msk [tilespmem:v25+s26+$0x0], $0xffff  }
0x165: {  	v31 =	vld.idx.msk [tilespmem:v7+s25+$0x0], $0xffff;
	v2 =	vadd.f32 v3, v2;
	v3 =	vmul.f32 v6, v26  }
0x166: {  	v6 =	vld.idx.msk [tilespmem:v7+s26+$0x0], $0xffff;
	v7 =	vor.u32 $0x2D, v1  }
0x167: {  	v32 =	vld.idx.msk [tilespmem:v28+s25+$0x0], $0xffff;
	v2 =	vadd.f32 v3, v2;
	v3 =	vmul.f32 v5, v27  }
0x168: {  	v33 =	vor.u32 $0x2E, v1;
	v5 =	vld.idx.msk [tilespmem:v28+s26+$0x0], $0xffff  }
0x169: {  	v34 =	vld.idx.msk [tilespmem:v30+s25+$0x0], $0xffff;
	v2 =	vadd.f32 v3, v2;
	v3 =	vmul.f32 v4, v29  }
0x16a: {  	v35 =	vor.u32 $0x2F, v1;
	v4 =	vld.idx.msk [tilespmem:v30+s26+$0x0], $0xffff  }
0x16b: {  	v36 =	vld.idx.msk [tilespmem:v7+s25+$0x0], $0xffff;
	v2 =	vadd.f32 v3, v2;
	v3 =	vmul.f32 v6, v31  }
0x16c: {  	v6 =	vld.idx.msk [tilespmem:v7+s26+$0x0], $0xffff;
	v7 =	vor.u32 $0x30, v1  }
0x16d: {  	v37 =	vld.idx.msk [tilespmem:v33+s25+$0x0], $0xffff;
	v2 =	vadd.f32 v3, v2;
	v3 =	vmul.f32 v5, v32  }
0x16e: {  	v38 =	vor.u32 $0x31, v1;
	v5 =	vld.idx.msk [tilespmem:v33+s26+$0x0], $0xffff  }
0x16f: {  	v39 =	vld.idx.msk [tilespmem:v35+s25+$0x0], $0xffff;
	v2 =	vadd.f32 v3, v2;
	v3 =	vmul.f32 v4, v34  }
0x170: {  	v40 =	vor.u32 $0x32, v1;
	v4 =	vld.idx.msk [tilespmem:v35+s26+$0x0], $0xffff  }
0x171: {  	v41 =	vld.idx.msk [tilespmem:v7+s25+$0x0], $0xffff;
	v2 =	vadd.f32 v3, v2;
	v3 =	vmul.f32 v6, v36  }
0x172: {  	v6 =	vld.idx.msk [tilespmem:v7+s26+$0x0], $0xffff;
	v7 =	vor.u32 $0x33, v1  }
0x173: {  	v42 =	vld.idx.msk [tilespmem:v38+s25+$0x0], $0xffff;
	v2 =	vadd.f32 v3, v2;
	v3 =	vmul.f32 v5, v37  }
0x174: {  	v43 =	vor.u32 $0x34, v1;
	v5 =	vld.idx.msk [tilespmem:v38+s26+$0x0], $0xffff  }
0x175: {  	v44 =	vld.idx.msk [tilespmem:v40+s25+$0x0], $0xffff;
	v2 =	vadd.f32 v3, v2;
	v3 =	vmul.f32 v4, v39  }
0x176: {  	v45 =	vor.u32 $0x35, v1;
	v4 =	vld.idx.msk [tilespmem:v40+s26+$0x0], $0xffff  }
0x177: {  	v46 =	vld.idx.msk [tilespmem:v7+s25+$0x0], $0xffff;
	v2 =	vadd.f32 v3, v2;
	v3 =	vmul.f32 v6, v41  }
0x178: {  	v6 =	vld.idx.msk [tilespmem:v7+s26+$0x0], $0xffff;
	v7 =	vor.u32 $0x36, v1  }
0x179: {  	v47 =	vld.idx.msk [tilespmem:v43+s25+$0x0], $0xffff;
	v2 =	vadd.f32 v3, v2;
	v3 =	vmul.f32 v5, v42  }
0x17a: {  	v48 =	vor.u32 $0x37, v1;
	v5 =	vld.idx.msk [tilespmem:v43+s26+$0x0], $0xffff  }
0x17b: {  	v49 =	vld.idx.msk [tilespmem:v45+s25+$0x0], $0xffff;
	v2 =	vadd.f32 v3, v2;
	v3 =	vmul.f32 v4, v44  }
0x17c: {  	v50 =	vor.u32 $0x38, v1;
	v4 =	vld.idx.msk [tilespmem:v45+s26+$0x0], $0xffff  }
0x17d: {  	v51 =	vld.idx.msk [tilespmem:v7+s25+$0x0], $0xffff;
	v2 =	vadd.f32 v3, v2;
	v3 =	vmul.f32 v6, v46  }
0x17e: {  	v6 =	vld.idx.msk [tilespmem:v7+s26+$0x0], $0xffff;
	v7 =	vor.u32 $0x39, v1  }
0x17f: {  	v52 =	vld.idx.msk [tilespmem:v48+s25+$0x0], $0xffff;
	v2 =	vadd.f32 v3, v2;
	v3 =	vmul.f32 v5, v47  }
0x180: {  	v53 =	vor.u32 $0x3A, v1;
	v5 =	vld.idx.msk [tilespmem:v48+s26+$0x0], $0xffff  }
0x181: {  	v54 =	vld.idx.msk [tilespmem:v50+s25+$0x0], $0xffff;
	v2 =	vadd.f32 v3, v2;
	v3 =	vmul.f32 v4, v49  }
0x182: {  	v55 =	vor.u32 $0x3B, v1;
	v4 =	vld.idx.msk [tilespmem:v50+s26+$0x0], $0xffff  }
0x183: {  	v56 =	vld.idx.msk [tilespmem:v7+s25+$0x0], $0xffff;
	v2 =	vadd.f32 v3, v2;
	v3 =	vmul.f32 v6, v51  }
0x184: {  	v6 =	vld.idx.msk [tilespmem:v7+s26+$0x0], $0xffff;
	v7 =	vor.u32 $0x3C, v1  }
0x185: {  	v57 =	vld.idx.msk [tilespmem:v53+s25+$0x0], $0xffff;
	v2 =	vadd.f32 v3, v2;
	v3 =	vmul.f32 v5, v52  }
0x186: {  	v58 =	vor.u32 $0x3D, v1;
	v5 =	vld.idx.msk [tilespmem:v53+s26+$0x0], $0xffff  }
0x187: {  	v59 =	vld.idx.msk [tilespmem:v55+s25+$0x0], $0xffff;
	v2 =	vadd.f32 v3, v2;
	v3 =	vmul.f32 v4, v54  }
0x188: {  	v60 =	vor.u32 $0x3E, v1;
	v4 =	vld.idx.msk [tilespmem:v55+s26+$0x0], $0xffff  }
0x189: {  	v61 =	vld.idx.msk [tilespmem:v7+s25+$0x0], $0xffff;
	v2 =	vadd.f32 v3, v2;
	v3 =	vmul.f32 v6, v56  }
0x18a: {  	v1 =	vor.u32 $0x3F, v1;
	v6 =	vld.idx.msk [tilespmem:v7+s26+$0x0], $0xffff  }
0x18b: {  	v7 =	vld.idx.msk [tilespmem:v58+s25+$0x0], $0xffff;
	v2 =	vadd.f32 v3, v2;
	v3 =	vmul.f32 v5, v57  }
0x18c: {  	v5 =	vld.idx.msk [tilespmem:v58+s26+$0x0], $0xffff  }
0x18d: {  	v62 =	vld.idx.msk [tilespmem:v60+s25+$0x0], $0xffff;
	v2 =	vadd.f32 v3, v2;
	v3 =	vmul.f32 v4, v59  }
0x18e: {  	v4 =	vld.idx.msk [tilespmem:v60+s26+$0x0], $0xffff  }
0x18f: {  	v63 =	vld.idx.msk [tilespmem:v1+s25+$0x0], $0xffff;
	v2 =	vadd.f32 v3, v2;
	v3 =	vmul.f32 v6, v61  }
0x190: {  	v6 =	vld.idx.msk [tilespmem:v1+s26+$0x0], $0xffff  }
0x191: {  	s10 =	simm.s32 $0x20;
	v1 =	vadd.f32 v3, v2;
	v2 =	vmul.f32 v5, v7  }
0x192: {  	v3 =	vmov s10  }
0x193: {  	v3 =	vshll.u32 v3, $0x6;
	v4 =	vmul.f32 v4, v62;
	v5 =	vadd.f32 v2, v1  }
0x194: {  	v1 =	vor.u32 v0, v3  }
0x195: {  	v2 =	vor.u32 $0x1, v1;
	v3 =	vadd.f32 v4, v5;
	v4 =	vmul.f32 v6, v63  }
0x196: {  	s9 =	simm.s32 $0x10800;
	s10 =	simm.s32 $0x30  }
.LBB2_2:
0x197: {  	p0 =	sne.s32 s10, $0x1F0;
	v3 =	vadd.f32 v4, v3  }
0x198: {  	s9 =	sadd.s32 $0x10, s9  }
0x199: {  	[tilespmem:s9+$0x0] =	vst v3  }
0x19a: {  	s7 =	sadd.s32 $0x10, s7;
	v3 =	vld.idx.msk [tilespmem:v2+s25+$0x0], $0xffff  }
0x19b: {  	v5 =	vor.u32 $0x2, v1;
	v4 =	vld [tilespmem:s7+$0x0]  }
0x19c: {  	v6 =	vld.idx.msk [tilespmem:v1+s25+$0x0], $0xffff  }
0x19d: {  	v8 =	vor.u32 $0x3, v1;
	s8 =	sadd.s32 $0x10, s8;
	v7 =	vld.idx.msk [tilespmem:v1+s26+$0x0], $0xffff  }
0x19e: {  	v9 =	vld [tilespmem:s8+$0x0]  }
0x19f: {  	v10 =	vor.u32 $0x4, v1;
	v2 =	vld.idx.msk [tilespmem:v2+s26+$0x0], $0xffff  }
0x1a0: {  	v11 =	vld.idx.msk [tilespmem:v5+s25+$0x0], $0xffff  }
0x1a1: {  	v12 =	vor.u32 $0x5, v1;
	v5 =	vld.idx.msk [tilespmem:v5+s26+$0x0], $0xffff  }
0x1a2: {  	v13 =	vld.idx.msk [tilespmem:v8+s25+$0x0], $0xffff  }
0x1a3: {  	v6 =	vmul.f32 v7, v6;
	v4 =	vadd.f32 v4, v9;
	v7 =	vld.idx.msk [tilespmem:v8+s26+$0x0], $0xffff;
	v8 =	vor.u32 $0x6, v1  }
0x1a4: {  	v9 =	vld.idx.msk [tilespmem:v10+s25+$0x0], $0xffff  }
0x1a5: {  	v2 =	vmul.f32 v2, v3;
	v4 =	vadd.f32 v6, v4;
	v3 =	vld.idx.msk [tilespmem:v10+s26+$0x0], $0xffff;
	v6 =	vor.u32 $0x7, v1  }
0x1a6: {  	v10 =	vld.idx.msk [tilespmem:v12+s25+$0x0], $0xffff  }
0x1a7: {  	v2 =	vadd.f32 v2, v4;
	v4 =	vmul.f32 v5, v11;
	v5 =	vld.idx.msk [tilespmem:v12+s26+$0x0], $0xffff;
	v11 =	vor.u32 $0x8, v1  }
0x1a8: {  	v12 =	vld.idx.msk [tilespmem:v8+s25+$0x0], $0xffff  }
0x1a9: {  	v2 =	vadd.f32 v4, v2;
	v4 =	vmul.f32 v7, v13;
	v7 =	vld.idx.msk [tilespmem:v8+s26+$0x0], $0xffff;
	v8 =	vor.u32 $0x9, v1  }
0x1aa: {  	v13 =	vld.idx.msk [tilespmem:v6+s25+$0x0], $0xffff  }
0x1ab: {  	v3 =	vmul.f32 v3, v9;
	v2 =	vadd.f32 v4, v2;
	v4 =	vld.idx.msk [tilespmem:v6+s26+$0x0], $0xffff;
	v6 =	vor.u32 $0xA, v1  }
0x1ac: {  	v9 =	vld.idx.msk [tilespmem:v11+s25+$0x0], $0xffff  }
0x1ad: {  	v2 =	vadd.f32 v3, v2;
	v3 =	vmul.f32 v5, v10;
	v5 =	vld.idx.msk [tilespmem:v11+s26+$0x0], $0xffff;
	v10 =	vor.u32 $0xB, v1  }
0x1ae: {  	v11 =	vld.idx.msk [tilespmem:v8+s25+$0x0], $0xffff  }
0x1af: {  	v2 =	vadd.f32 v3, v2;
	v3 =	vmul.f32 v7, v12;
	v7 =	vld.idx.msk [tilespmem:v8+s26+$0x0], $0xffff;
	v8 =	vor.u32 $0xC, v1  }
0x1b0: {  	v12 =	vld.idx.msk [tilespmem:v6+s25+$0x0], $0xffff  }
0x1b1: {  	v2 =	vadd.f32 v3, v2;
	v3 =	vmul.f32 v4, v13;
	v4 =	vld.idx.msk [tilespmem:v6+s26+$0x0], $0xffff;
	v6 =	vor.u32 $0xD, v1  }
0x1b2: {  	v13 =	vld.idx.msk [tilespmem:v10+s25+$0x0], $0xffff  }
0x1b3: {  	v2 =	vadd.f32 v3, v2;
	v3 =	vmul.f32 v5, v9;
	v5 =	vld.idx.msk [tilespmem:v10+s26+$0x0], $0xffff;
	v9 =	vor.u32 $0xE, v1  }
0x1b4: {  	v10 =	vld.idx.msk [tilespmem:v8+s25+$0x0], $0xffff  }
0x1b5: {  	v2 =	vadd.f32 v3, v2;
	v3 =	vmul.f32 v7, v11;
	v7 =	vld.idx.msk [tilespmem:v8+s26+$0x0], $0xffff;
	v8 =	vor.u32 $0xF, v1  }
0x1b6: {  	v11 =	vld.idx.msk [tilespmem:v6+s25+$0x0], $0xffff  }
0x1b7: {  	v2 =	vadd.f32 v3, v2;
	v3 =	vmul.f32 v4, v12;
	v4 =	vld.idx.msk [tilespmem:v6+s26+$0x0], $0xffff;
	v6 =	vor.u32 $0x10, v1  }
0x1b8: {  	v12 =	vld.idx.msk [tilespmem:v9+s25+$0x0], $0xffff  }
0x1b9: {  	v2 =	vadd.f32 v3, v2;
	v3 =	vmul.f32 v5, v13;
	v5 =	vld.idx.msk [tilespmem:v9+s26+$0x0], $0xffff;
	v9 =	vor.u32 $0x11, v1  }
0x1ba: {  	v13 =	vld.idx.msk [tilespmem:v8+s25+$0x0], $0xffff  }
0x1bb: {  	v2 =	vadd.f32 v3, v2;
	v3 =	vmul.f32 v7, v10;
	v7 =	vld.idx.msk [tilespmem:v8+s26+$0x0], $0xffff;
	v8 =	vor.u32 $0x12, v1  }
0x1bc: {  	v10 =	vld.idx.msk [tilespmem:v6+s25+$0x0], $0xffff  }
0x1bd: {  	v2 =	vadd.f32 v3, v2;
	v3 =	vmul.f32 v4, v11;
	v4 =	vld.idx.msk [tilespmem:v6+s26+$0x0], $0xffff;
	v6 =	vor.u32 $0x13, v1  }
0x1be: {  	v11 =	vld.idx.msk [tilespmem:v9+s25+$0x0], $0xffff  }
0x1bf: {  	v2 =	vadd.f32 v3, v2;
	v3 =	vmul.f32 v5, v12;
	v5 =	vld.idx.msk [tilespmem:v9+s26+$0x0], $0xffff;
	v9 =	vor.u32 $0x14, v1  }
0x1c0: {  	v12 =	vld.idx.msk [tilespmem:v8+s25+$0x0], $0xffff  }
0x1c1: {  	v2 =	vadd.f32 v3, v2;
	v3 =	vmul.f32 v7, v13;
	v7 =	vld.idx.msk [tilespmem:v8+s26+$0x0], $0xffff;
	v8 =	vor.u32 $0x15, v1  }
0x1c2: {  	v13 =	vld.idx.msk [tilespmem:v6+s25+$0x0], $0xffff  }
0x1c3: {  	v2 =	vadd.f32 v3, v2;
	v3 =	vmul.f32 v4, v10;
	v4 =	vld.idx.msk [tilespmem:v6+s26+$0x0], $0xffff;
	v6 =	vor.u32 $0x16, v1  }
0x1c4: {  	v10 =	vld.idx.msk [tilespmem:v9+s25+$0x0], $0xffff  }
0x1c5: {  	v2 =	vadd.f32 v3, v2;
	v3 =	vmul.f32 v5, v11;
	v5 =	vld.idx.msk [tilespmem:v9+s26+$0x0], $0xffff;
	v9 =	vor.u32 $0x17, v1  }
0x1c6: {  	v11 =	vld.idx.msk [tilespmem:v8+s25+$0x0], $0xffff  }
0x1c7: {  	v2 =	vadd.f32 v3, v2;
	v3 =	vmul.f32 v7, v12;
	v7 =	vld.idx.msk [tilespmem:v8+s26+$0x0], $0xffff;
	v8 =	vor.u32 $0x18, v1  }
0x1c8: {  	v12 =	vld.idx.msk [tilespmem:v6+s25+$0x0], $0xffff  }
0x1c9: {  	v2 =	vadd.f32 v3, v2;
	v3 =	vmul.f32 v4, v13;
	v4 =	vld.idx.msk [tilespmem:v6+s26+$0x0], $0xffff;
	v6 =	vor.u32 $0x19, v1  }
0x1ca: {  	v13 =	vld.idx.msk [tilespmem:v9+s25+$0x0], $0xffff  }
0x1cb: {  	v2 =	vadd.f32 v3, v2;
	v3 =	vmul.f32 v5, v10;
	v5 =	vld.idx.msk [tilespmem:v9+s26+$0x0], $0xffff;
	v9 =	vor.u32 $0x1A, v1  }
0x1cc: {  	v10 =	vld.idx.msk [tilespmem:v8+s25+$0x0], $0xffff  }
0x1cd: {  	v2 =	vadd.f32 v3, v2;
	v3 =	vmul.f32 v7, v11;
	v7 =	vld.idx.msk [tilespmem:v8+s26+$0x0], $0xffff;
	v8 =	vor.u32 $0x1B, v1  }
0x1ce: {  	v11 =	vld.idx.msk [tilespmem:v6+s25+$0x0], $0xffff  }
0x1cf: {  	v2 =	vadd.f32 v3, v2;
	v3 =	vmul.f32 v4, v12;
	v4 =	vld.idx.msk [tilespmem:v6+s26+$0x0], $0xffff;
	v6 =	vor.u32 $0x1C, v1  }
0x1d0: {  	v12 =	vld.idx.msk [tilespmem:v9+s25+$0x0], $0xffff  }
0x1d1: {  	v2 =	vadd.f32 v3, v2;
	v3 =	vmul.f32 v5, v13;
	v5 =	vld.idx.msk [tilespmem:v9+s26+$0x0], $0xffff;
	v9 =	vor.u32 $0x1D, v1  }
0x1d2: {  	v13 =	vld.idx.msk [tilespmem:v8+s25+$0x0], $0xffff  }
0x1d3: {  	v2 =	vadd.f32 v3, v2;
	v3 =	vmul.f32 v7, v10;
	v7 =	vld.idx.msk [tilespmem:v8+s26+$0x0], $0xffff;
	v8 =	vor.u32 $0x1E, v1  }
0x1d4: {  	v10 =	vld.idx.msk [tilespmem:v6+s25+$0x0], $0xffff  }
0x1d5: {  	v2 =	vadd.f32 v3, v2;
	v3 =	vmul.f32 v4, v11;
	v4 =	vld.idx.msk [tilespmem:v6+s26+$0x0], $0xffff;
	v6 =	vor.u32 $0x1F, v1  }
0x1d6: {  	v11 =	vld.idx.msk [tilespmem:v9+s25+$0x0], $0xffff  }
0x1d7: {  	v2 =	vadd.f32 v3, v2;
	v3 =	vmul.f32 v5, v12;
	v5 =	vld.idx.msk [tilespmem:v9+s26+$0x0], $0xffff;
	v9 =	vor.u32 $0x20, v1  }
0x1d8: {  	v12 =	vld.idx.msk [tilespmem:v8+s25+$0x0], $0xffff  }
0x1d9: {  	v2 =	vadd.f32 v3, v2;
	v3 =	vmul.f32 v7, v13;
	v7 =	vld.idx.msk [tilespmem:v8+s26+$0x0], $0xffff;
	v8 =	vor.u32 $0x21, v1  }
0x1da: {  	v13 =	vld.idx.msk [tilespmem:v6+s25+$0x0], $0xffff  }
0x1db: {  	v2 =	vadd.f32 v3, v2;
	v3 =	vmul.f32 v4, v10;
	v4 =	vld.idx.msk [tilespmem:v6+s26+$0x0], $0xffff;
	v6 =	vor.u32 $0x22, v1  }
0x1dc: {  	v10 =	vld.idx.msk [tilespmem:v9+s25+$0x0], $0xffff  }
0x1dd: {  	v2 =	vadd.f32 v3, v2;
	v3 =	vmul.f32 v5, v11;
	v5 =	vld.idx.msk [tilespmem:v9+s26+$0x0], $0xffff;
	v9 =	vor.u32 $0x23, v1  }
0x1de: {  	v11 =	vld.idx.msk [tilespmem:v8+s25+$0x0], $0xffff  }
0x1df: {  	v2 =	vadd.f32 v3, v2;
	v3 =	vmul.f32 v7, v12;
	v7 =	vld.idx.msk [tilespmem:v8+s26+$0x0], $0xffff;
	v8 =	vor.u32 $0x24, v1  }
0x1e0: {  	v12 =	vld.idx.msk [tilespmem:v6+s25+$0x0], $0xffff  }
0x1e1: {  	v2 =	vadd.f32 v3, v2;
	v3 =	vmul.f32 v4, v13;
	v4 =	vld.idx.msk [tilespmem:v6+s26+$0x0], $0xffff;
	v6 =	vor.u32 $0x25, v1  }
0x1e2: {  	v13 =	vld.idx.msk [tilespmem:v9+s25+$0x0], $0xffff  }
0x1e3: {  	v2 =	vadd.f32 v3, v2;
	v3 =	vmul.f32 v5, v10;
	v5 =	vld.idx.msk [tilespmem:v9+s26+$0x0], $0xffff;
	v9 =	vor.u32 $0x26, v1  }
0x1e4: {  	v10 =	vld.idx.msk [tilespmem:v8+s25+$0x0], $0xffff  }
0x1e5: {  	v2 =	vadd.f32 v3, v2;
	v3 =	vmul.f32 v7, v11;
	v7 =	vld.idx.msk [tilespmem:v8+s26+$0x0], $0xffff;
	v8 =	vor.u32 $0x27, v1  }
0x1e6: {  	v11 =	vld.idx.msk [tilespmem:v6+s25+$0x0], $0xffff  }
0x1e7: {  	v2 =	vadd.f32 v3, v2;
	v3 =	vmul.f32 v4, v12;
	v4 =	vld.idx.msk [tilespmem:v6+s26+$0x0], $0xffff;
	v6 =	vor.u32 $0x28, v1  }
0x1e8: {  	v12 =	vld.idx.msk [tilespmem:v9+s25+$0x0], $0xffff  }
0x1e9: {  	v2 =	vadd.f32 v3, v2;
	v3 =	vmul.f32 v5, v13;
	v5 =	vld.idx.msk [tilespmem:v9+s26+$0x0], $0xffff;
	v9 =	vor.u32 $0x29, v1  }
0x1ea: {  	v13 =	vld.idx.msk [tilespmem:v8+s25+$0x0], $0xffff  }
0x1eb: {  	v2 =	vadd.f32 v3, v2;
	v3 =	vmul.f32 v7, v10;
	v7 =	vld.idx.msk [tilespmem:v8+s26+$0x0], $0xffff;
	v8 =	vor.u32 $0x2A, v1  }
0x1ec: {  	v10 =	vld.idx.msk [tilespmem:v6+s25+$0x0], $0xffff  }
0x1ed: {  	v2 =	vadd.f32 v3, v2;
	v3 =	vmul.f32 v4, v11;
	v4 =	vld.idx.msk [tilespmem:v6+s26+$0x0], $0xffff;
	v6 =	vor.u32 $0x2B, v1  }
0x1ee: {  	v11 =	vld.idx.msk [tilespmem:v9+s25+$0x0], $0xffff  }
0x1ef: {  	v2 =	vadd.f32 v3, v2;
	v3 =	vmul.f32 v5, v12;
	v5 =	vld.idx.msk [tilespmem:v9+s26+$0x0], $0xffff;
	v9 =	vor.u32 $0x2C, v1  }
0x1f0: {  	v12 =	vld.idx.msk [tilespmem:v8+s25+$0x0], $0xffff  }
0x1f1: {  	v2 =	vadd.f32 v3, v2;
	v3 =	vmul.f32 v7, v13;
	v7 =	vld.idx.msk [tilespmem:v8+s26+$0x0], $0xffff;
	v8 =	vor.u32 $0x2D, v1  }
0x1f2: {  	v13 =	vld.idx.msk [tilespmem:v6+s25+$0x0], $0xffff  }
0x1f3: {  	v2 =	vadd.f32 v3, v2;
	v3 =	vmul.f32 v4, v10;
	v4 =	vld.idx.msk [tilespmem:v6+s26+$0x0], $0xffff;
	v6 =	vor.u32 $0x2E, v1  }
0x1f4: {  	v10 =	vld.idx.msk [tilespmem:v9+s25+$0x0], $0xffff  }
0x1f5: {  	v2 =	vadd.f32 v3, v2;
	v3 =	vmul.f32 v5, v11;
	v5 =	vld.idx.msk [tilespmem:v9+s26+$0x0], $0xffff;
	v9 =	vor.u32 $0x2F, v1  }
0x1f6: {  	v11 =	vld.idx.msk [tilespmem:v8+s25+$0x0], $0xffff  }
0x1f7: {  	v2 =	vadd.f32 v3, v2;
	v3 =	vmul.f32 v7, v12;
	v7 =	vld.idx.msk [tilespmem:v8+s26+$0x0], $0xffff;
	v8 =	vor.u32 $0x30, v1  }
0x1f8: {  	v12 =	vld.idx.msk [tilespmem:v6+s25+$0x0], $0xffff  }
0x1f9: {  	v2 =	vadd.f32 v3, v2;
	v3 =	vmul.f32 v4, v13;
	v4 =	vld.idx.msk [tilespmem:v6+s26+$0x0], $0xffff;
	v6 =	vor.u32 $0x31, v1  }
0x1fa: {  	v13 =	vld.idx.msk [tilespmem:v9+s25+$0x0], $0xffff  }
0x1fb: {  	v2 =	vadd.f32 v3, v2;
	v3 =	vmul.f32 v5, v10;
	v5 =	vld.idx.msk [tilespmem:v9+s26+$0x0], $0xffff;
	v9 =	vor.u32 $0x32, v1  }
0x1fc: {  	v10 =	vld.idx.msk [tilespmem:v8+s25+$0x0], $0xffff  }
0x1fd: {  	v2 =	vadd.f32 v3, v2;
	v3 =	vmul.f32 v7, v11;
	v7 =	vld.idx.msk [tilespmem:v8+s26+$0x0], $0xffff;
	v8 =	vor.u32 $0x33, v1  }
0x1fe: {  	v11 =	vld.idx.msk [tilespmem:v6+s25+$0x0], $0xffff  }
0x1ff: {  	v2 =	vadd.f32 v3, v2;
	v3 =	vmul.f32 v4, v12;
	v4 =	vld.idx.msk [tilespmem:v6+s26+$0x0], $0xffff;
	v6 =	vor.u32 $0x34, v1  }
0x200: {  	v12 =	vld.idx.msk [tilespmem:v9+s25+$0x0], $0xffff  }
0x201: {  	v2 =	vadd.f32 v3, v2;
	v3 =	vmul.f32 v5, v13;
	v5 =	vld.idx.msk [tilespmem:v9+s26+$0x0], $0xffff;
	v9 =	vor.u32 $0x35, v1  }
0x202: {  	v13 =	vld.idx.msk [tilespmem:v8+s25+$0x0], $0xffff  }
0x203: {  	v2 =	vadd.f32 v3, v2;
	v3 =	vmul.f32 v7, v10;
	v7 =	vld.idx.msk [tilespmem:v8+s26+$0x0], $0xffff;
	v8 =	vor.u32 $0x36, v1  }
0x204: {  	v10 =	vld.idx.msk [tilespmem:v6+s25+$0x0], $0xffff  }
0x205: {  	v2 =	vadd.f32 v3, v2;
	v3 =	vmul.f32 v4, v11;
	v4 =	vld.idx.msk [tilespmem:v6+s26+$0x0], $0xffff;
	v6 =	vor.u32 $0x37, v1  }
0x206: {  	v11 =	vld.idx.msk [tilespmem:v9+s25+$0x0], $0xffff  }
0x207: {  	v2 =	vadd.f32 v3, v2;
	v3 =	vmul.f32 v5, v12;
	v5 =	vld.idx.msk [tilespmem:v9+s26+$0x0], $0xffff;
	v9 =	vor.u32 $0x38, v1  }
0x208: {  	v12 =	vld.idx.msk [tilespmem:v8+s25+$0x0], $0xffff  }
0x209: {  	v2 =	vadd.f32 v3, v2;
	v3 =	vmul.f32 v7, v13;
	v7 =	vld.idx.msk [tilespmem:v8+s26+$0x0], $0xffff;
	v8 =	vor.u32 $0x39, v1  }
0x20a: {  	v13 =	vld.idx.msk [tilespmem:v6+s25+$0x0], $0xffff  }
0x20b: {  	v2 =	vadd.f32 v3, v2;
	v3 =	vmul.f32 v4, v10;
	v4 =	vld.idx.msk [tilespmem:v6+s26+$0x0], $0xffff;
	v6 =	vor.u32 $0x3A, v1  }
0x20c: {  	v10 =	vld.idx.msk [tilespmem:v9+s25+$0x0], $0xffff  }
0x20d: {  	v2 =	vadd.f32 v3, v2;
	v3 =	vmul.f32 v5, v11;
	v5 =	vld.idx.msk [tilespmem:v9+s26+$0x0], $0xffff;
	v9 =	vor.u32 $0x3B, v1  }
0x20e: {  	v11 =	vld.idx.msk [tilespmem:v8+s25+$0x0], $0xffff  }
0x20f: {  	v2 =	vadd.f32 v3, v2;
	v3 =	vmul.f32 v7, v12;
	v7 =	vld.idx.msk [tilespmem:v8+s26+$0x0], $0xffff;
	v8 =	vor.u32 $0x3C, v1  }
0x210: {  	v12 =	vld.idx.msk [tilespmem:v6+s25+$0x0], $0xffff  }
0x211: {  	v2 =	vadd.f32 v3, v2;
	v3 =	vmul.f32 v4, v13;
	v4 =	vld.idx.msk [tilespmem:v6+s26+$0x0], $0xffff;
	v6 =	vor.u32 $0x3D, v1  }
0x212: {  	v13 =	vld.idx.msk [tilespmem:v9+s25+$0x0], $0xffff  }
0x213: {  	v2 =	vadd.f32 v3, v2;
	v3 =	vmul.f32 v5, v10;
	v5 =	vld.idx.msk [tilespmem:v9+s26+$0x0], $0xffff;
	v9 =	vor.u32 $0x3E, v1  }
0x214: {  	v10 =	vld.idx.msk [tilespmem:v8+s25+$0x0], $0xffff  }
0x215: {  	v1 =	vor.u32 $0x3F, v1;
	v2 =	vadd.f32 v3, v2;
	v3 =	vmul.f32 v7, v11;
	v7 =	vld.idx.msk [tilespmem:v8+s26+$0x0], $0xffff  }
0x216: {  	v8 =	vld.idx.msk [tilespmem:v6+s25+$0x0], $0xffff  }
0x217: {  	v2 =	vadd.f32 v3, v2;
	v3 =	vmul.f32 v4, v12;
	v4 =	vld.idx.msk [tilespmem:v6+s26+$0x0], $0xffff  }
0x218: {  	v6 =	vld.idx.msk [tilespmem:v9+s25+$0x0], $0xffff  }
0x219: {  	v2 =	vadd.f32 v3, v2;
	v3 =	vmul.f32 v5, v13;
	v5 =	vld.idx.msk [tilespmem:v9+s26+$0x0], $0xffff  }
0x21a: {  	v9 =	vld.idx.msk [tilespmem:v1+s25+$0x0], $0xffff  }
0x21b: {  	v2 =	vadd.f32 v3, v2;
	v3 =	vmul.f32 v7, v10;
	v7 =	vld.idx.msk [tilespmem:v1+s26+$0x0], $0xffff;
	_ =	sdelay $0x1  }
0x21c: {  	v1 =	vadd.f32 v3, v2;
	v2 =	vmul.f32 v4, v8  }
.Ltmp0:
0x21d: {  	v3 =	vmov s10;
	(pc) =	sbr.rel @p0 .LBB2_2-.Ltmp0, $4  }
0x21e: {  	v3 =	vshll.u32 v3, $0x6;
	v5 =	vmul.f32 v5, v6;
	v4 =	vadd.f32 v2, v1  }
0x21f: {  	v1 =	vor.u32 v0, v3  }
0x220: {  	v2 =	vor.u32 $0x1, v1;
	v3 =	vadd.f32 v5, v4;
	v4 =	vmul.f32 v7, v9  }
0x221: {  	s10 =	sadd.s32 $0x10, s10  }
0x222: {  	v3 =	vadd.f32 v4, v3  }
0x223: {  	s9 =	sadd.s32 $0x10, s9  }
0x224: {  	s7 =	sadd.s32 $0x10, s7;
	[tilespmem:s9+$0x0] =	vst v3  }
0x225: {  	v3 =	vld [tilespmem:s7+$0x0]  }
0x226: {  	v30 =	vor.u32 $0x2, v1;
	v5 =	vld.idx.msk [tilespmem:v1+s25+$0x0], $0xffff  }
0x227: {  	s8 =	sadd.s32 $0x10, s8;
	v6 =	vld.idx.msk [tilespmem:v1+s26+$0x0], $0xffff  }
0x228: {  	v7 =	vor.u32 $0x3, v1;
	v8 =	vld [tilespmem:s8+$0x0]  }
0x229: {  	v9 =	vld.idx.msk [tilespmem:v2+s25+$0x0], $0xffff  }
0x22a: {  	v10 =	vor.u32 $0x4, v1;
	v2 =	vld.idx.msk [tilespmem:v2+s26+$0x0], $0xffff  }
0x22b: {  	v11 =	vld.idx.msk [tilespmem:v30+s25+$0x0], $0xffff  }
0x22c: {  	v12 =	vor.u32 $0x5, v1;
	v4 =	vld.idx.msk [tilespmem:v30+s26+$0x0], $0xffff  }
0x22d: {  	v13 =	vld.idx.msk [tilespmem:v7+s25+$0x0], $0xffff;
	v3 =	vadd.f32 v3, v8;
	v5 =	vmul.f32 v6, v5  }
0x22e: {  	v32 =	vor.u32 $0x6, v1;
	v31 =	vld.idx.msk [tilespmem:v7+s26+$0x0], $0xffff  }
0x22f: {  	v33 =	vld.idx.msk [tilespmem:v10+s25+$0x0], $0xffff;
	v2 =	vmul.f32 v2, v9;
	v3 =	vadd.f32 v5, v3  }
0x230: {  	v35 =	vor.u32 $0x7, v1;
	v34 =	vld.idx.msk [tilespmem:v10+s26+$0x0], $0xffff  }
0x231: {  	v36 =	vld.idx.msk [tilespmem:v12+s25+$0x0], $0xffff;
	v2 =	vadd.f32 v2, v3;
	v3 =	vmul.f32 v4, v11  }
0x232: {  	v38 =	vor.u32 $0x8, v1;
	v37 =	vld.idx.msk [tilespmem:v12+s26+$0x0], $0xffff  }
0x233: {  	v39 =	vld.idx.msk [tilespmem:v32+s25+$0x0], $0xffff;
	v2 =	vadd.f32 v3, v2;
	v3 =	vmul.f32 v31, v13  }
0x234: {  	v41 =	vor.u32 $0x9, v1;
	v40 =	vld.idx.msk [tilespmem:v32+s26+$0x0], $0xffff  }
0x235: {  	v42 =	vld.idx.msk [tilespmem:v35+s25+$0x0], $0xffff;
	v2 =	vadd.f32 v3, v2;
	v3 =	vmul.f32 v34, v33  }
0x236: {  	v44 =	vor.u32 $0xA, v1;
	v43 =	vld.idx.msk [tilespmem:v35+s26+$0x0], $0xffff  }
0x237: {  	v45 =	vld.idx.msk [tilespmem:v38+s25+$0x0], $0xffff;
	v2 =	vadd.f32 v3, v2;
	v3 =	vmul.f32 v37, v36  }
0x238: {  	v47 =	vor.u32 $0xB, v1;
	v46 =	vld.idx.msk [tilespmem:v38+s26+$0x0], $0xffff  }
0x239: {  	v48 =	vld.idx.msk [tilespmem:v41+s25+$0x0], $0xffff;
	v2 =	vadd.f32 v3, v2;
	v3 =	vmul.f32 v40, v39  }
0x23a: {  	v50 =	vor.u32 $0xC, v1;
	v49 =	vld.idx.msk [tilespmem:v41+s26+$0x0], $0xffff  }
0x23b: {  	v51 =	vld.idx.msk [tilespmem:v44+s25+$0x0], $0xffff;
	v2 =	vadd.f32 v3, v2;
	v3 =	vmul.f32 v43, v42  }
0x23c: {  	v53 =	vor.u32 $0xD, v1;
	v52 =	vld.idx.msk [tilespmem:v44+s26+$0x0], $0xffff  }
0x23d: {  	v54 =	vld.idx.msk [tilespmem:v47+s25+$0x0], $0xffff;
	v2 =	vadd.f32 v3, v2;
	v3 =	vmul.f32 v46, v45  }
0x23e: {  	v56 =	vor.u32 $0xE, v1;
	v55 =	vld.idx.msk [tilespmem:v47+s26+$0x0], $0xffff  }
0x23f: {  	v57 =	vld.idx.msk [tilespmem:v50+s25+$0x0], $0xffff;
	v2 =	vadd.f32 v3, v2;
	v3 =	vmul.f32 v49, v48  }
0x240: {  	v59 =	vor.u32 $0xF, v1;
	v58 =	vld.idx.msk [tilespmem:v50+s26+$0x0], $0xffff  }
0x241: {  	v60 =	vld.idx.msk [tilespmem:v53+s25+$0x0], $0xffff;
	v2 =	vadd.f32 v3, v2;
	v3 =	vmul.f32 v52, v51  }
0x242: {  	v62 =	vor.u32 $0x10, v1;
	v61 =	vld.idx.msk [tilespmem:v53+s26+$0x0], $0xffff  }
0x243: {  	v63 =	vld.idx.msk [tilespmem:v56+s25+$0x0], $0xffff;
	v2 =	vadd.f32 v3, v2;
	v3 =	vmul.f32 v55, v54  }
0x244: {  	v17 =	vor.u32 $0x11, v1;
	v16 =	vld.idx.msk [tilespmem:v56+s26+$0x0], $0xffff  }
0x245: {  	v18 =	vld.idx.msk [tilespmem:v59+s25+$0x0], $0xffff;
	v2 =	vadd.f32 v3, v2;
	v3 =	vmul.f32 v58, v57  }
0x246: {  	v20 =	vor.u32 $0x12, v1;
	v19 =	vld.idx.msk [tilespmem:v59+s26+$0x0], $0xffff  }
0x247: {  	v21 =	vld.idx.msk [tilespmem:v62+s25+$0x0], $0xffff;
	v2 =	vadd.f32 v3, v2;
	v3 =	vmul.f32 v61, v60  }
0x248: {  	v23 =	vor.u32 $0x13, v1;
	v22 =	vld.idx.msk [tilespmem:v62+s26+$0x0], $0xffff  }
0x249: {  	v24 =	vld.idx.msk [tilespmem:v17+s25+$0x0], $0xffff;
	v2 =	vadd.f32 v3, v2;
	v3 =	vmul.f32 v16, v63  }
0x24a: {  	v26 =	vor.u32 $0x14, v1;
	v25 =	vld.idx.msk [tilespmem:v17+s26+$0x0], $0xffff  }
0x24b: {  	v27 =	vld.idx.msk [tilespmem:v20+s25+$0x0], $0xffff;
	v2 =	vadd.f32 v3, v2;
	v3 =	vmul.f32 v19, v18  }
0x24c: {  	v29 =	vor.u32 $0x15, v1;
	v28 =	vld.idx.msk [tilespmem:v20+s26+$0x0], $0xffff  }
0x24d: {  	v30 =	vld.idx.msk [tilespmem:v23+s25+$0x0], $0xffff;
	v2 =	vadd.f32 v3, v2;
	v3 =	vmul.f32 v22, v21  }
0x24e: {  	v32 =	vor.u32 $0x16, v1;
	v31 =	vld.idx.msk [tilespmem:v23+s26+$0x0], $0xffff  }
0x24f: {  	v33 =	vld.idx.msk [tilespmem:v26+s25+$0x0], $0xffff;
	v2 =	vadd.f32 v3, v2;
	v3 =	vmul.f32 v25, v24  }
0x250: {  	v35 =	vor.u32 $0x17, v1;
	v34 =	vld.idx.msk [tilespmem:v26+s26+$0x0], $0xffff  }
0x251: {  	v36 =	vld.idx.msk [tilespmem:v29+s25+$0x0], $0xffff;
	v2 =	vadd.f32 v3, v2;
	v3 =	vmul.f32 v28, v27  }
0x252: {  	v38 =	vor.u32 $0x18, v1;
	v37 =	vld.idx.msk [tilespmem:v29+s26+$0x0], $0xffff  }
0x253: {  	v39 =	vld.idx.msk [tilespmem:v32+s25+$0x0], $0xffff;
	v2 =	vadd.f32 v3, v2;
	v3 =	vmul.f32 v31, v30  }
0x254: {  	v41 =	vor.u32 $0x19, v1;
	v40 =	vld.idx.msk [tilespmem:v32+s26+$0x0], $0xffff  }
0x255: {  	v42 =	vld.idx.msk [tilespmem:v35+s25+$0x0], $0xffff;
	v2 =	vadd.f32 v3, v2;
	v3 =	vmul.f32 v34, v33  }
0x256: {  	v44 =	vor.u32 $0x1A, v1;
	v43 =	vld.idx.msk [tilespmem:v35+s26+$0x0], $0xffff  }
0x257: {  	v45 =	vld.idx.msk [tilespmem:v38+s25+$0x0], $0xffff;
	v2 =	vadd.f32 v3, v2;
	v3 =	vmul.f32 v37, v36  }
0x258: {  	v47 =	vor.u32 $0x1B, v1;
	v46 =	vld.idx.msk [tilespmem:v38+s26+$0x0], $0xffff  }
0x259: {  	v48 =	vld.idx.msk [tilespmem:v41+s25+$0x0], $0xffff;
	v2 =	vadd.f32 v3, v2;
	v3 =	vmul.f32 v40, v39  }
0x25a: {  	v50 =	vor.u32 $0x1C, v1;
	v49 =	vld.idx.msk [tilespmem:v41+s26+$0x0], $0xffff  }
0x25b: {  	v51 =	vld.idx.msk [tilespmem:v44+s25+$0x0], $0xffff;
	v2 =	vadd.f32 v3, v2;
	v3 =	vmul.f32 v43, v42  }
0x25c: {  	v53 =	vor.u32 $0x1D, v1;
	v52 =	vld.idx.msk [tilespmem:v44+s26+$0x0], $0xffff  }
0x25d: {  	v54 =	vld.idx.msk [tilespmem:v47+s25+$0x0], $0xffff;
	v2 =	vadd.f32 v3, v2;
	v3 =	vmul.f32 v46, v45  }
0x25e: {  	v56 =	vor.u32 $0x1E, v1;
	v55 =	vld.idx.msk [tilespmem:v47+s26+$0x0], $0xffff  }
0x25f: {  	v57 =	vld.idx.msk [tilespmem:v50+s25+$0x0], $0xffff;
	v2 =	vadd.f32 v3, v2;
	v3 =	vmul.f32 v49, v48  }
0x260: {  	v59 =	vor.u32 $0x1F, v1;
	v58 =	vld.idx.msk [tilespmem:v50+s26+$0x0], $0xffff  }
0x261: {  	v60 =	vld.idx.msk [tilespmem:v53+s25+$0x0], $0xffff;
	v2 =	vadd.f32 v3, v2;
	v3 =	vmul.f32 v52, v51  }
0x262: {  	v62 =	vor.u32 $0x20, v1;
	v61 =	vld.idx.msk [tilespmem:v53+s26+$0x0], $0xffff  }
0x263: {  	v63 =	vld.idx.msk [tilespmem:v56+s25+$0x0], $0xffff;
	v2 =	vadd.f32 v3, v2;
	v3 =	vmul.f32 v55, v54  }
0x264: {  	v17 =	vor.u32 $0x21, v1;
	v16 =	vld.idx.msk [tilespmem:v56+s26+$0x0], $0xffff  }
0x265: {  	v18 =	vld.idx.msk [tilespmem:v59+s25+$0x0], $0xffff;
	v2 =	vadd.f32 v3, v2;
	v3 =	vmul.f32 v58, v57  }
0x266: {  	v20 =	vor.u32 $0x22, v1;
	v19 =	vld.idx.msk [tilespmem:v59+s26+$0x0], $0xffff  }
0x267: {  	v21 =	vld.idx.msk [tilespmem:v62+s25+$0x0], $0xffff;
	v2 =	vadd.f32 v3, v2;
	v3 =	vmul.f32 v61, v60  }
0x268: {  	v23 =	vor.u32 $0x23, v1;
	v22 =	vld.idx.msk [tilespmem:v62+s26+$0x0], $0xffff  }
0x269: {  	v24 =	vld.idx.msk [tilespmem:v17+s25+$0x0], $0xffff;
	v2 =	vadd.f32 v3, v2;
	v3 =	vmul.f32 v16, v63  }
0x26a: {  	v26 =	vor.u32 $0x24, v1;
	v25 =	vld.idx.msk [tilespmem:v17+s26+$0x0], $0xffff  }
0x26b: {  	v27 =	vld.idx.msk [tilespmem:v20+s25+$0x0], $0xffff;
	v2 =	vadd.f32 v3, v2;
	v3 =	vmul.f32 v19, v18  }
0x26c: {  	v29 =	vor.u32 $0x25, v1;
	v28 =	vld.idx.msk [tilespmem:v20+s26+$0x0], $0xffff  }
0x26d: {  	v30 =	vld.idx.msk [tilespmem:v23+s25+$0x0], $0xffff;
	v2 =	vadd.f32 v3, v2;
	v3 =	vmul.f32 v22, v21  }
0x26e: {  	v32 =	vor.u32 $0x26, v1;
	v31 =	vld.idx.msk [tilespmem:v23+s26+$0x0], $0xffff  }
0x26f: {  	v33 =	vld.idx.msk [tilespmem:v26+s25+$0x0], $0xffff;
	v2 =	vadd.f32 v3, v2;
	v3 =	vmul.f32 v25, v24  }
0x270: {  	v35 =	vor.u32 $0x27, v1;
	v34 =	vld.idx.msk [tilespmem:v26+s26+$0x0], $0xffff  }
0x271: {  	v36 =	vld.idx.msk [tilespmem:v29+s25+$0x0], $0xffff;
	v2 =	vadd.f32 v3, v2;
	v3 =	vmul.f32 v28, v27  }
0x272: {  	v38 =	vor.u32 $0x28, v1;
	v37 =	vld.idx.msk [tilespmem:v29+s26+$0x0], $0xffff  }
0x273: {  	v39 =	vld.idx.msk [tilespmem:v32+s25+$0x0], $0xffff;
	v2 =	vadd.f32 v3, v2;
	v3 =	vmul.f32 v31, v30  }
0x274: {  	v41 =	vor.u32 $0x29, v1;
	v40 =	vld.idx.msk [tilespmem:v32+s26+$0x0], $0xffff  }
0x275: {  	v42 =	vld.idx.msk [tilespmem:v35+s25+$0x0], $0xffff;
	v2 =	vadd.f32 v3, v2;
	v3 =	vmul.f32 v34, v33  }
0x276: {  	v44 =	vor.u32 $0x2A, v1;
	v43 =	vld.idx.msk [tilespmem:v35+s26+$0x0], $0xffff  }
0x277: {  	v45 =	vld.idx.msk [tilespmem:v38+s25+$0x0], $0xffff;
	v2 =	vadd.f32 v3, v2;
	v3 =	vmul.f32 v37, v36  }
0x278: {  	v47 =	vor.u32 $0x2B, v1;
	v46 =	vld.idx.msk [tilespmem:v38+s26+$0x0], $0xffff  }
0x279: {  	v48 =	vld.idx.msk [tilespmem:v41+s25+$0x0], $0xffff;
	v2 =	vadd.f32 v3, v2;
	v3 =	vmul.f32 v40, v39  }
0x27a: {  	v50 =	vor.u32 $0x2C, v1;
	v49 =	vld.idx.msk [tilespmem:v41+s26+$0x0], $0xffff  }
0x27b: {  	v51 =	vld.idx.msk [tilespmem:v44+s25+$0x0], $0xffff;
	v2 =	vadd.f32 v3, v2;
	v3 =	vmul.f32 v43, v42  }
0x27c: {  	v53 =	vor.u32 $0x2D, v1;
	v52 =	vld.idx.msk [tilespmem:v44+s26+$0x0], $0xffff  }
0x27d: {  	v54 =	vld.idx.msk [tilespmem:v47+s25+$0x0], $0xffff;
	v2 =	vadd.f32 v3, v2;
	v3 =	vmul.f32 v46, v45  }
0x27e: {  	v56 =	vor.u32 $0x2E, v1;
	v55 =	vld.idx.msk [tilespmem:v47+s26+$0x0], $0xffff  }
0x27f: {  	v57 =	vld.idx.msk [tilespmem:v50+s25+$0x0], $0xffff;
	v2 =	vadd.f32 v3, v2;
	v3 =	vmul.f32 v49, v48  }
0x280: {  	v59 =	vor.u32 $0x2F, v1;
	v58 =	vld.idx.msk [tilespmem:v50+s26+$0x0], $0xffff  }
0x281: {  	v60 =	vld.idx.msk [tilespmem:v53+s25+$0x0], $0xffff;
	v2 =	vadd.f32 v3, v2;
	v3 =	vmul.f32 v52, v51  }
0x282: {  	v62 =	vor.u32 $0x30, v1;
	v61 =	vld.idx.msk [tilespmem:v53+s26+$0x0], $0xffff  }
0x283: {  	v63 =	vld.idx.msk [tilespmem:v56+s25+$0x0], $0xffff;
	v2 =	vadd.f32 v3, v2;
	v3 =	vmul.f32 v55, v54  }
0x284: {  	v17 =	vor.u32 $0x31, v1;
	v16 =	vld.idx.msk [tilespmem:v56+s26+$0x0], $0xffff  }
0x285: {  	v18 =	vld.idx.msk [tilespmem:v59+s25+$0x0], $0xffff;
	v2 =	vadd.f32 v3, v2;
	v3 =	vmul.f32 v58, v57  }
0x286: {  	v20 =	vor.u32 $0x32, v1;
	v19 =	vld.idx.msk [tilespmem:v59+s26+$0x0], $0xffff  }
0x287: {  	v21 =	vld.idx.msk [tilespmem:v62+s25+$0x0], $0xffff;
	v2 =	vadd.f32 v3, v2;
	v3 =	vmul.f32 v61, v60  }
0x288: {  	v23 =	vor.u32 $0x33, v1;
	v22 =	vld.idx.msk [tilespmem:v62+s26+$0x0], $0xffff  }
0x289: {  	v24 =	vld.idx.msk [tilespmem:v17+s25+$0x0], $0xffff;
	v2 =	vadd.f32 v3, v2;
	v3 =	vmul.f32 v16, v63  }
0x28a: {  	v26 =	vor.u32 $0x34, v1;
	v25 =	vld.idx.msk [tilespmem:v17+s26+$0x0], $0xffff  }
0x28b: {  	v27 =	vld.idx.msk [tilespmem:v20+s25+$0x0], $0xffff;
	v2 =	vadd.f32 v3, v2;
	v3 =	vmul.f32 v19, v18  }
0x28c: {  	v29 =	vor.u32 $0x35, v1;
	v28 =	vld.idx.msk [tilespmem:v20+s26+$0x0], $0xffff  }
0x28d: {  	v30 =	vld.idx.msk [tilespmem:v23+s25+$0x0], $0xffff;
	v2 =	vadd.f32 v3, v2;
	v3 =	vmul.f32 v22, v21  }
0x28e: {  	v32 =	vor.u32 $0x36, v1;
	v31 =	vld.idx.msk [tilespmem:v23+s26+$0x0], $0xffff  }
0x28f: {  	v33 =	vld.idx.msk [tilespmem:v26+s25+$0x0], $0xffff;
	v2 =	vadd.f32 v3, v2;
	v3 =	vmul.f32 v25, v24  }
0x290: {  	v35 =	vor.u32 $0x37, v1;
	v34 =	vld.idx.msk [tilespmem:v26+s26+$0x0], $0xffff  }
0x291: {  	v36 =	vld.idx.msk [tilespmem:v29+s25+$0x0], $0xffff;
	v2 =	vadd.f32 v3, v2;
	v3 =	vmul.f32 v28, v27  }
0x292: {  	v38 =	vor.u32 $0x38, v1;
	v37 =	vld.idx.msk [tilespmem:v29+s26+$0x0], $0xffff  }
0x293: {  	v39 =	vld.idx.msk [tilespmem:v32+s25+$0x0], $0xffff;
	v2 =	vadd.f32 v3, v2;
	v3 =	vmul.f32 v31, v30  }
0x294: {  	v41 =	vor.u32 $0x39, v1;
	v40 =	vld.idx.msk [tilespmem:v32+s26+$0x0], $0xffff  }
0x295: {  	v42 =	vld.idx.msk [tilespmem:v35+s25+$0x0], $0xffff;
	v2 =	vadd.f32 v3, v2;
	v3 =	vmul.f32 v34, v33  }
0x296: {  	v44 =	vor.u32 $0x3A, v1;
	v43 =	vld.idx.msk [tilespmem:v35+s26+$0x0], $0xffff  }
0x297: {  	v45 =	vld.idx.msk [tilespmem:v38+s25+$0x0], $0xffff;
	v2 =	vadd.f32 v3, v2;
	v3 =	vmul.f32 v37, v36  }
0x298: {  	v47 =	vor.u32 $0x3B, v1;
	v46 =	vld.idx.msk [tilespmem:v38+s26+$0x0], $0xffff  }
0x299: {  	v48 =	vld.idx.msk [tilespmem:v41+s25+$0x0], $0xffff;
	v2 =	vadd.f32 v3, v2;
	v3 =	vmul.f32 v40, v39  }
0x29a: {  	v50 =	vor.u32 $0x3C, v1;
	v49 =	vld.idx.msk [tilespmem:v41+s26+$0x0], $0xffff  }
0x29b: {  	v51 =	vld.idx.msk [tilespmem:v44+s25+$0x0], $0xffff;
	v2 =	vadd.f32 v3, v2;
	v3 =	vmul.f32 v43, v42  }
0x29c: {  	v53 =	vor.u32 $0x3D, v1;
	v52 =	vld.idx.msk [tilespmem:v44+s26+$0x0], $0xffff  }
0x29d: {  	v54 =	vld.idx.msk [tilespmem:v47+s25+$0x0], $0xffff;
	v2 =	vadd.f32 v3, v2;
	v3 =	vmul.f32 v46, v45  }
0x29e: {  	v56 =	vor.u32 $0x3E, v1;
	v55 =	vld.idx.msk [tilespmem:v47+s26+$0x0], $0xffff  }
0x29f: {  	v57 =	vld.idx.msk [tilespmem:v50+s25+$0x0], $0xffff;
	v2 =	vadd.f32 v3, v2;
	v3 =	vmul.f32 v49, v48  }
0x2a0: {  	v1 =	vor.u32 $0x3F, v1;
	v58 =	vld.idx.msk [tilespmem:v50+s26+$0x0], $0xffff  }
0x2a1: {  	v59 =	vld.idx.msk [tilespmem:v53+s25+$0x0], $0xffff;
	v2 =	vadd.f32 v3, v2;
	v3 =	vmul.f32 v52, v51  }
0x2a2: {  	v60 =	vld.idx.msk [tilespmem:v53+s26+$0x0], $0xffff  }
0x2a3: {  	v62 =	vld.idx.msk [tilespmem:v56+s26+$0x0], $0xffff;
	v2 =	vadd.f32 v3, v2;
	v3 =	vmul.f32 v55, v54  }
0x2a4: {  	v61 =	vld.idx.msk [tilespmem:v56+s25+$0x0], $0xffff  }
0x2a5: {  	v63 =	vld.idx.msk [tilespmem:v1+s25+$0x0], $0xffff;
	v2 =	vadd.f32 v3, v2;
	v3 =	vmul.f32 v58, v57  }
0x2a6: {  	v1 =	vld.idx.msk [tilespmem:v1+s26+$0x0], $0xffff  }
0x2a7: {  	v2 =	vadd.f32 v3, v2;
	v3 =	vmul.f32 v60, v59;
	_ =	sdelay $0x1  }
0x2a8: {  	v2 =	vadd.f32 v3, v2;
	v3 =	vmul.f32 v62, v61;
	_ =	sdelay $0x1  }
0x2a9: {  	v1 =	vmul.f32 v1, v63;
	v2 =	vadd.f32 v3, v2;
	_ =	sdelay $0x1  }
0x2aa: {  	s4 =	sadd.s32 $0x1, s4;
	v1 =	vadd.f32 v1, v2  }
0x2ab: {  	s10 =	sadd.s32 $0x10, s9;
	p0 =	sne.s32 s4, s16  }
.Ltmp1:
0x2ac: {  	[tilespmem:s10+$0x0] =	vst v1;
	(pc) =	sbr.rel @p0 .LBB2_1-.Ltmp1, $4  }
0x2ad: {  	[hbm4b:s15+s3] =	stream.linear.scatter [tilespmem:s0], [sflag:$0x5], $0x200, $0x38;
	[tilespmem:$0x10A00] =	vst v63  }
0x2ae: {  	_ =	swait.ge [sflag:s17], $0x200  }
0x2af: {  	[sflag:s17] =	ssyncset.done $0x0  }
0x2b0: {  	[sflag:s17] =	ssyncadd.s32 $0xFFFFFE00  }
0x2b1: {  	_ =	sfence.sel $0x180000  }
0x2b2: {  	[bflag:$0x0] =	sbarrier.arrive $0xFFFF  }
0x2b3: {  	_ =	strace $0x90000047  }
0x2b4: {  	s0 =	stileid.u32;
	[bflag:$0x2] =	sbarrier.arrive $0xFFFF  }
0x2b5: {  	p0 =	sne.s32 s0, $0x0;
	s0 =	rddreg [dreg:$0x6]  }
0x2b6: {  	s0 =	sadd.s32 @!p0 $0x100000, s0  }
0x2b7: {  	[sflag:s0] =	ssyncadd.tile.s32 @!p0 $0x1;
	_ =	shalt  }
.Lfunc_end2:
_tile_overlayer_lowered:
.L_overlay_start_2:
0x2b8: {  	(tag) =	ssettag $0x2  }
0x2b9: {  	s0 =	rddreg [dreg:$0x0];
	s2 =	stileid.u32  }
0x2ba: {  	s1 =	rddreg [dreg:$0x1];
	p0 =	sne.s32 s2, $0x0  }
0x2bb: {  	s3 =	rddreg [dreg:$0x2];
	[bflag:$0x3] =	sbarrier.arrive $0xFFFF;
	s2 =	simm.s32 @!p0 $0x1C05  }
0x2bc: {  	[timem:s3], [sflag:s2] =	dma.local @!p0 [hbm:s0], s1  }
0x2bd: {  	s0 =	simm.s32 @!p0 $0x5  }
0x2be: {  	_ =	swait.ge @!p0 [sflag:s0], s1  }
0x2bf: {  	s1 =	ssub.s32 @!p0 $0x0, s1;
	[sflag:s0] =	ssyncset.done @!p0 $0x0  }
0x2c0: {  	[sflag:s0] =	ssyncadd.s32 @!p0 s1  }
0x2c1: {  	[bflag:$0x3] =	sbarrier.arrive $0xFFFF  }
0x2c2: {  	_ =	shalt  }

</sc_bundles>
